<compile_context>
chip_gen: v7x
topology: tpu7x:2x2x1
jax: 0.10.2.dev20260603
libtpu: 0.0.44.dev20260713+nightly
codegen_flags: <defaults>
</compile_context>

<pallas_src>
import functools

import jax
import jax.numpy as jnp
from jax import lax
from jax.experimental import pallas as pl
from jax.experimental.pallas import tpu as pltpu
from jax.experimental.pallas import tpu_sc as plsc

_CHUNK = 128
_CPG = 2
_NSLOT = 3
_PAD = 128


@functools.lru_cache(maxsize=None)
def _build_gather(num_rows: int, dim: int, batch: int):
    info = plsc.get_sparse_core_info()
    nc, ns = info.num_cores, info.num_subcores
    nw = nc * ns
    rows_g = _CPG * _CHUNK
    assert batch % (nw * rows_g) == 0
    chunks_per_w = batch // (nw * _CHUNK)
    groups = chunks_per_w // _CPG
    assert groups % _NSLOT == 1 and groups > 2 * _NSLOT

    mesh = plsc.VectorSubcoreMesh(core_axis_name="c", subcore_axis_name="s")

    @functools.partial(
        pl.kernel,
        mesh=mesh,
        out_type=jax.ShapeDtypeStruct((batch, _PAD), jnp.float32),
        scratch_types=[
            pltpu.VMEM((chunks_per_w, _CHUNK), jnp.int32),
            pltpu.VMEM((rows_g, _PAD), jnp.float32),
            pltpu.VMEM((rows_g, _PAD), jnp.float32),
            pltpu.VMEM((rows_g, _PAD), jnp.float32),
            pltpu.SemaphoreType.DMA,
            pltpu.SemaphoreType.DMA,
            pltpu.SemaphoreType.DMA,
            pltpu.SemaphoreType.DMA,
            pltpu.SemaphoreType.DMA,
            pltpu.SemaphoreType.DMA,
        ],
    )
    def gather_kernel(table_hbm, idx_hbm, out_hbm, idx_v, buf0, buf1, buf2,
                      gsem0, gsem1, gsem2, ssem0, ssem1, ssem2):
        bufs = (buf0, buf1, buf2)
        gsems = (gsem0, gsem1, gsem2)
        ssems = (ssem0, ssem1, ssem2)
        wid = lax.axis_index("s") * nc + lax.axis_index("c")
        row0 = wid * chunks_per_w * _CHUNK
        pltpu.sync_copy(idx_hbm.at[pl.ds(wid * chunks_per_w, chunks_per_w)], idx_v)

        def fire(g, slot):
            for k in range(_CPG):
                pltpu.async_copy(
                    table_hbm.at[idx_v.at[g * _CPG + k]],
                    bufs[slot].at[pl.ds(k * _CHUNK, _CHUNK)],
                    gsems[slot])

        def wait_gathers(slot):
            pltpu.make_async_copy(
                table_hbm.at[pl.ds(0, rows_g)], bufs[slot], gsems[slot]).wait()

        def start_store(g, slot):
            pltpu.async_copy(
                bufs[slot], out_hbm.at[pl.ds(row0 + g * rows_g, rows_g)],
                ssems[slot])

        def wait_store(slot):
            pltpu.make_async_copy(
                bufs[slot], out_hbm.at[pl.ds(0, rows_g)], ssems[slot]).wait()

        def step(g, slot, first, fire_next):
            wait_gathers(slot)
            start_store(g, slot)
            if not first:
                wait_store((slot + 2) % _NSLOT)
            if fire_next is not None:
                fire_next()

        fire(0, 0)
        fire(1, 1)
        step(0, 0, True, lambda: fire(2, 2))
        step(1, 1, False, lambda: fire(3, 0))
        step(2, 2, False, lambda: fire(4, 1))

        def body(t, carry):
            for u in range(_NSLOT):
                g = _NSLOT * t + u

                def fire_next(g=g, u=u):
                    @pl.when(g + 2 < groups)
                    def _():
                        fire(g + 2, (u + 2) % _NSLOT)

                step(g, u, False, fire_next)
            return carry

        lax.fori_loop(1, groups // _NSLOT, body, 0)
        g_last = groups - 1
        step(g_last, g_last % _NSLOT, False, None)
        wait_store(g_last % _NSLOT)

    return gather_kernel


def kernel(token_ids, weight):
    b, s = token_ids.shape
    num_rows, dim = weight.shape
    batch = b * s
    idx2d = token_ids.reshape(batch // _CHUNK, _CHUNK).astype(jnp.int32)
    wpad = jnp.pad(weight, ((0, 0), (0, _PAD - dim)))
    out = _build_gather(num_rows, dim, batch)(wpad, idx2d)
    return out.reshape(b, s, _PAD)[:, :, :dim]

# --- scband reference (transcript-rebuilt; emitter-appended) ---
"""Pipeline reference for scband-embedding-1245540515883 (READ-ONLY COPY).

The authoritative reference and input builder live on the scoring server;
editing this copy changes nothing except your own understanding.
"""

import jax, jax.numpy as jnp
import numpy as np

NUM_EMBEDDINGS = 1000000
EMBEDDING_DIM = 64

def setup_inputs(seed: int = 0) -> dict:
    key = jax.random.key(seed)
    k_idx, k_w = jax.random.split(key)
    token_ids = jax.random.randint(k_idx, (4096, 200), 0, NUM_EMBEDDINGS, dtype=jnp.int64 if jax.config.jax_enable_x64 else jnp.int32)
    # trunc_normal_(mean=0, std=1, a=-3, b=3)
    weight = jax.random.truncated_normal(k_w, -3.0, 3.0, (NUM_EMBEDDINGS, EMBEDDING_DIM), dtype=jnp.float32)
    return {"token_ids": token_ids, "weight": weight}

def reference(token_ids, weight):
    # Faithful to torch: self.weight[token_ids] -> gather on axis 0
    return jnp.take(weight, token_ids, axis=0)

if __name__ == "__main__":
    import jax
    _d = setup_inputs()
    print(jax.jit(kernel)(*tuple(_d.values())))

</pallas_src>

<mosaic_0001>
#map = affine_map<(d0, d1) -> (0, 0)>
module attributes {stable_mosaic.version = 14 : i64} {
  func.func @gather_kernel(%arg0: i32, %arg1: i32, %arg2: memref<1000000x128xf32, #tpu.memory_space<hbm>>, %arg3: memref<6400x128xi32, #tpu.memory_space<hbm>>, %arg4: memref<819200x128xf32, #tpu.memory_space<hbm>>, %arg5: memref<200x128xi32, #tpu.memory_space<vmem>>, %arg6: memref<256x128xf32, #tpu.memory_space<vmem>>, %arg7: memref<256x128xf32, #tpu.memory_space<vmem>>, %arg8: memref<256x128xf32, #tpu.memory_space<vmem>>, %arg9: memref<!tpu.dma_semaphore, #tpu.memory_space<semaphore_mem>>, %arg10: memref<!tpu.dma_semaphore, #tpu.memory_space<semaphore_mem>>, %arg11: memref<!tpu.dma_semaphore, #tpu.memory_space<semaphore_mem>>, %arg12: memref<!tpu.dma_semaphore, #tpu.memory_space<semaphore_mem>>, %arg13: memref<!tpu.dma_semaphore, #tpu.memory_space<semaphore_mem>>, %arg14: memref<!tpu.dma_semaphore, #tpu.memory_space<semaphore_mem>>) attributes {dimension_semantics = [#tpu.dimension_semantics<core_parallel>, #tpu.dimension_semantics<subcore_parallel>], iteration_bounds = array<i64: 2, 16>, scalar_prefetch = 0 : i64, scratch_operands = 10 : i64, tpu.core_type = #tpu.core_type<sc_vector_subcore>, window_params = [{transform_indices = #map}, {transform_indices = #map}, {transform_indices = #map}]} {
    %mul3A = arith.constant 2 : i32
    %mul3A_0 = arith.muli %arg1, %mul3A : i32
    %add3A = arith.addi %mul3A_0, %arg0 : i32
    %mul3A_1 = arith.constant 200 : i32
    %mul3A_2 = arith.muli %add3A, %mul3A_1 : i32
    %mul3A_3 = arith.constant 128 : i32
    %mul3A_4 = arith.muli %mul3A_2, %mul3A_3 : i32
    %mul3A_5 = arith.constant 200 : i32
    %mul3A_6 = arith.muli %add3A, %mul3A_5 : i32
    "tpu.region"() ({
      %run_scoped3A = tpu.sem_alloc : memref<!tpu.dma_semaphore, #tpu.memory_space<semaphore_mem>>
      %dma_start3A_182 = arith.constant 0 : i32
      %dma_start3A_183 = tpu.memref_slice %arg3[%mul3A_6, %dma_start3A_182] : memref<6400x128xi32, #tpu.memory_space<hbm>> -> memref<200x128xi32, #tpu.memory_space<hbm>>
      %dma_start3A_184 = arith.constant 0 : i32
      %dma_start3A_185 = tpu.memref_slice %arg3[%mul3A_6, %dma_start3A_184] : memref<6400x128xi32, #tpu.memory_space<hbm>> -> memref<200x128xi32, #tpu.memory_space<hbm>>
      tpu.enqueue_dma source(%dma_start3A_185 : memref<200x128xi32, #tpu.memory_space<hbm>>) target(%arg5 : memref<200x128xi32, #tpu.memory_space<vmem>>) target_semaphore(%run_scoped3A : memref<!tpu.dma_semaphore, #tpu.memory_space<semaphore_mem>>)
      %dma_wait3A_186 = arith.constant 0 : i32
      %dma_wait3A_187 = tpu.memref_slice %arg3[%mul3A_6, %dma_wait3A_186] : memref<6400x128xi32, #tpu.memory_space<hbm>> -> memref<200x128xi32, #tpu.memory_space<hbm>>
      %dma_wait3A_188 = arith.constant 0 : i32
      %dma_wait3A_189 = tpu.memref_slice %arg3[%mul3A_6, %dma_wait3A_188] : memref<6400x128xi32, #tpu.memory_space<hbm>> -> memref<200x128xi32, #tpu.memory_space<hbm>>
      tpu.wait_dma2 semaphore(%run_scoped3A : memref<!tpu.dma_semaphore, #tpu.memory_space<semaphore_mem>>) src(%dma_wait3A_189 : memref<200x128xi32, #tpu.memory_space<hbm>>) dst(%arg5 : memref<200x128xi32, #tpu.memory_space<vmem>>)
      tpu.yield
    }) : () -> ()
    %dma_start3A = arith.constant 0 : i32
    %dma_start3A_7 = arith.constant 0 : i32
    %dma_start3A_8 = arith.constant 0 : i32
    %dma_start3A_9 = tpu.memref_slice %arg6[%dma_start3A_7, %dma_start3A_8] : memref<256x128xf32, #tpu.memory_space<vmem>> -> memref<128x128xf32, #tpu.memory_space<vmem>>
    %dma_start3A_10 = arith.constant 0 : i32
    %dma_start3A_11 = tpu.memref_slice %arg5[%dma_start3A, %dma_start3A_10] : memref<200x128xi32, #tpu.memory_space<vmem>> -> memref<1x128xi32, #tpu.memory_space<vmem>>
    %dma_start3A_12 = tpu.memref_squeeze %dma_start3A_11 : memref<1x128xi32, #tpu.memory_space<vmem>> -> memref<128xi32, #tpu.memory_space<vmem>>
    %dma_start3A_13 = arith.constant 0 : i32
    %dma_start3A_14 = arith.constant 0 : i32
    %dma_start3A_15 = tpu.memref_slice %arg2[%dma_start3A_13, %dma_start3A_14] : memref<1000000x128xf32, #tpu.memory_space<hbm>> -> memref<1000000x128xf32, #tpu.memory_space<hbm>>
    tpu.enqueue_indirect_dma source(%dma_start3A_15 : memref<1000000x128xf32, #tpu.memory_space<hbm>>) target(%dma_start3A_9 : memref<128x128xf32, #tpu.memory_space<vmem>>) offsets(%dma_start3A_12 : memref<128xi32, #tpu.memory_space<vmem>>) semaphore(%arg9 : memref<!tpu.dma_semaphore, #tpu.memory_space<semaphore_mem>>)
    %dma_start3A_16 = arith.constant 1 : i32
    %dma_start3A_17 = arith.constant 128 : i32
    %dma_start3A_18 = arith.constant 0 : i32
    %dma_start3A_19 = tpu.memref_slice %arg6[%dma_start3A_17, %dma_start3A_18] : memref<256x128xf32, #tpu.memory_space<vmem>> -> memref<128x128xf32, #tpu.memory_space<vmem>>
    %dma_start3A_20 = arith.constant 0 : i32
    %dma_start3A_21 = tpu.memref_slice %arg5[%dma_start3A_16, %dma_start3A_20] : memref<200x128xi32, #tpu.memory_space<vmem>> -> memref<1x128xi32, #tpu.memory_space<vmem>>
    %dma_start3A_22 = tpu.memref_squeeze %dma_start3A_21 : memref<1x128xi32, #tpu.memory_space<vmem>> -> memref<128xi32, #tpu.memory_space<vmem>>
    %dma_start3A_23 = arith.constant 0 : i32
    %dma_start3A_24 = arith.constant 0 : i32
    %dma_start3A_25 = tpu.memref_slice %arg2[%dma_start3A_23, %dma_start3A_24] : memref<1000000x128xf32, #tpu.memory_space<hbm>> -> memref<1000000x128xf32, #tpu.memory_space<hbm>>
    tpu.enqueue_indirect_dma source(%dma_start3A_25 : memref<1000000x128xf32, #tpu.memory_space<hbm>>) target(%dma_start3A_19 : memref<128x128xf32, #tpu.memory_space<vmem>>) offsets(%dma_start3A_22 : memref<128xi32, #tpu.memory_space<vmem>>) semaphore(%arg9 : memref<!tpu.dma_semaphore, #tpu.memory_space<semaphore_mem>>)
    %dma_start3A_26 = arith.constant 2 : i32
    %dma_start3A_27 = arith.constant 0 : i32
    %dma_start3A_28 = arith.constant 0 : i32
    %dma_start3A_29 = tpu.memref_slice %arg7[%dma_start3A_27, %dma_start3A_28] : memref<256x128xf32, #tpu.memory_space<vmem>> -> memref<128x128xf32, #tpu.memory_space<vmem>>
    %dma_start3A_30 = arith.constant 0 : i32
    %dma_start3A_31 = tpu.memref_slice %arg5[%dma_start3A_26, %dma_start3A_30] : memref<200x128xi32, #tpu.memory_space<vmem>> -> memref<1x128xi32, #tpu.memory_space<vmem>>
    %dma_start3A_32 = tpu.memref_squeeze %dma_start3A_31 : memref<1x128xi32, #tpu.memory_space<vmem>> -> memref<128xi32, #tpu.memory_space<vmem>>
    %dma_start3A_33 = arith.constant 0 : i32
    %dma_start3A_34 = arith.constant 0 : i32
    %dma_start3A_35 = tpu.memref_slice %arg2[%dma_start3A_33, %dma_start3A_34] : memref<1000000x128xf32, #tpu.memory_space<hbm>> -> memref<1000000x128xf32, #tpu.memory_space<hbm>>
    tpu.enqueue_indirect_dma source(%dma_start3A_35 : memref<1000000x128xf32, #tpu.memory_space<hbm>>) target(%dma_start3A_29 : memref<128x128xf32, #tpu.memory_space<vmem>>) offsets(%dma_start3A_32 : memref<128xi32, #tpu.memory_space<vmem>>) semaphore(%arg10 : memref<!tpu.dma_semaphore, #tpu.memory_space<semaphore_mem>>)
    %dma_start3A_36 = arith.constant 3 : i32
    %dma_start3A_37 = arith.constant 128 : i32
    %dma_start3A_38 = arith.constant 0 : i32
    %dma_start3A_39 = tpu.memref_slice %arg7[%dma_start3A_37, %dma_start3A_38] : memref<256x128xf32, #tpu.memory_space<vmem>> -> memref<128x128xf32, #tpu.memory_space<vmem>>
    %dma_start3A_40 = arith.constant 0 : i32
    %dma_start3A_41 = tpu.memref_slice %arg5[%dma_start3A_36, %dma_start3A_40] : memref<200x128xi32, #tpu.memory_space<vmem>> -> memref<1x128xi32, #tpu.memory_space<vmem>>
    %dma_start3A_42 = tpu.memref_squeeze %dma_start3A_41 : memref<1x128xi32, #tpu.memory_space<vmem>> -> memref<128xi32, #tpu.memory_space<vmem>>
    %dma_start3A_43 = arith.constant 0 : i32
    %dma_start3A_44 = arith.constant 0 : i32
    %dma_start3A_45 = tpu.memref_slice %arg2[%dma_start3A_43, %dma_start3A_44] : memref<1000000x128xf32, #tpu.memory_space<hbm>> -> memref<1000000x128xf32, #tpu.memory_space<hbm>>
    tpu.enqueue_indirect_dma source(%dma_start3A_45 : memref<1000000x128xf32, #tpu.memory_space<hbm>>) target(%dma_start3A_39 : memref<128x128xf32, #tpu.memory_space<vmem>>) offsets(%dma_start3A_42 : memref<128xi32, #tpu.memory_space<vmem>>) semaphore(%arg10 : memref<!tpu.dma_semaphore, #tpu.memory_space<semaphore_mem>>)
    %dma_wait3A = arith.constant 0 : i32
    %dma_wait3A_46 = arith.constant 0 : i32
    %dma_wait3A_47 = tpu.memref_slice %arg2[%dma_wait3A, %dma_wait3A_46] : memref<1000000x128xf32, #tpu.memory_space<hbm>> -> memref<256x128xf32, #tpu.memory_space<hbm>>
    %dma_wait3A_48 = arith.constant 0 : i32
    %dma_wait3A_49 = arith.constant 0 : i32
    %dma_wait3A_50 = tpu.memref_slice %arg2[%dma_wait3A_48, %dma_wait3A_49] : memref<1000000x128xf32, #tpu.memory_space<hbm>> -> memref<256x128xf32, #tpu.memory_space<hbm>>
    tpu.wait_dma2 semaphore(%arg9 : memref<!tpu.dma_semaphore, #tpu.memory_space<semaphore_mem>>) src(%dma_wait3A_50 : memref<256x128xf32, #tpu.memory_space<hbm>>) dst(%arg6 : memref<256x128xf32, #tpu.memory_space<vmem>>)
    %add3A_51 = arith.constant 0 : i32
    %add3A_52 = arith.addi %mul3A_4, %add3A_51 : i32
    %dma_start3A_53 = arith.constant 0 : i32
    %dma_start3A_54 = tpu.memref_slice %arg4[%add3A_52, %dma_start3A_53] : memref<819200x128xf32, #tpu.memory_space<hbm>> -> memref<256x128xf32, #tpu.memory_space<hbm>>
    %dma_start3A_55 = arith.constant 0 : i32
    %dma_start3A_56 = tpu.memref_slice %arg4[%add3A_52, %dma_start3A_55] : memref<819200x128xf32, #tpu.memory_space<hbm>> -> memref<256x128xf32, #tpu.memory_space<hbm>>
    tpu.enqueue_dma source(%arg6 : memref<256x128xf32, #tpu.memory_space<vmem>>) target(%dma_start3A_56 : memref<256x128xf32, #tpu.memory_space<hbm>>) target_semaphore(%arg12 : memref<!tpu.dma_semaphore, #tpu.memory_space<semaphore_mem>>)
    %dma_start3A_57 = arith.constant 4 : i32
    %dma_start3A_58 = arith.constant 0 : i32
    %dma_start3A_59 = arith.constant 0 : i32
    %dma_start3A_60 = tpu.memref_slice %arg8[%dma_start3A_58, %dma_start3A_59] : memref<256x128xf32, #tpu.memory_space<vmem>> -> memref<128x128xf32, #tpu.memory_space<vmem>>
    %dma_start3A_61 = arith.constant 0 : i32
    %dma_start3A_62 = tpu.memref_slice %arg5[%dma_start3A_57, %dma_start3A_61] : memref<200x128xi32, #tpu.memory_space<vmem>> -> memref<1x128xi32, #tpu.memory_space<vmem>>
    %dma_start3A_63 = tpu.memref_squeeze %dma_start3A_62 : memref<1x128xi32, #tpu.memory_space<vmem>> -> memref<128xi32, #tpu.memory_space<vmem>>
    %dma_start3A_64 = arith.constant 0 : i32
    %dma_start3A_65 = arith.constant 0 : i32
    %dma_start3A_66 = tpu.memref_slice %arg2[%dma_start3A_64, %dma_start3A_65] : memref<1000000x128xf32, #tpu.memory_space<hbm>> -> memref<1000000x128xf32, #tpu.memory_space<hbm>>
    tpu.enqueue_indirect_dma source(%dma_start3A_66 : memref<1000000x128xf32, #tpu.memory_space<hbm>>) target(%dma_start3A_60 : memref<128x128xf32, #tpu.memory_space<vmem>>) offsets(%dma_start3A_63 : memref<128xi32, #tpu.memory_space<vmem>>) semaphore(%arg11 : memref<!tpu.dma_semaphore, #tpu.memory_space<semaphore_mem>>)
    %dma_start3A_67 = arith.constant 5 : i32
    %dma_start3A_68 = arith.constant 128 : i32
    %dma_start3A_69 = arith.constant 0 : i32
    %dma_start3A_70 = tpu.memref_slice %arg8[%dma_start3A_68, %dma_start3A_69] : memref<256x128xf32, #tpu.memory_space<vmem>> -> memref<128x128xf32, #tpu.memory_space<vmem>>
    %dma_start3A_71 = arith.constant 0 : i32
    %dma_start3A_72 = tpu.memref_slice %arg5[%dma_start3A_67, %dma_start3A_71] : memref<200x128xi32, #tpu.memory_space<vmem>> -> memref<1x128xi32, #tpu.memory_space<vmem>>
    %dma_start3A_73 = tpu.memref_squeeze %dma_start3A_72 : memref<1x128xi32, #tpu.memory_space<vmem>> -> memref<128xi32, #tpu.memory_space<vmem>>
    %dma_start3A_74 = arith.constant 0 : i32
    %dma_start3A_75 = arith.constant 0 : i32
    %dma_start3A_76 = tpu.memref_slice %arg2[%dma_start3A_74, %dma_start3A_75] : memref<1000000x128xf32, #tpu.memory_space<hbm>> -> memref<1000000x128xf32, #tpu.memory_space<hbm>>
    tpu.enqueue_indirect_dma source(%dma_start3A_76 : memref<1000000x128xf32, #tpu.memory_space<hbm>>) target(%dma_start3A_70 : memref<128x128xf32, #tpu.memory_space<vmem>>) offsets(%dma_start3A_73 : memref<128xi32, #tpu.memory_space<vmem>>) semaphore(%arg11 : memref<!tpu.dma_semaphore, #tpu.memory_space<semaphore_mem>>)
    %dma_wait3A_77 = arith.constant 0 : i32
    %dma_wait3A_78 = arith.constant 0 : i32
    %dma_wait3A_79 = tpu.memref_slice %arg2[%dma_wait3A_77, %dma_wait3A_78] : memref<1000000x128xf32, #tpu.memory_space<hbm>> -> memref<256x128xf32, #tpu.memory_space<hbm>>
    %dma_wait3A_80 = arith.constant 0 : i32
    %dma_wait3A_81 = arith.constant 0 : i32
    %dma_wait3A_82 = tpu.memref_slice %arg2[%dma_wait3A_80, %dma_wait3A_81] : memref<1000000x128xf32, #tpu.memory_space<hbm>> -> memref<256x128xf32, #tpu.memory_space<hbm>>
    tpu.wait_dma2 semaphore(%arg10 : memref<!tpu.dma_semaphore, #tpu.memory_space<semaphore_mem>>) src(%dma_wait3A_82 : memref<256x128xf32, #tpu.memory_space<hbm>>) dst(%arg7 : memref<256x128xf32, #tpu.memory_space<vmem>>)
    %add3A_83 = arith.constant 256 : i32
    %add3A_84 = arith.addi %mul3A_4, %add3A_83 : i32
    %dma_start3A_85 = arith.constant 0 : i32
    %dma_start3A_86 = tpu.memref_slice %arg4[%add3A_84, %dma_start3A_85] : memref<819200x128xf32, #tpu.memory_space<hbm>> -> memref<256x128xf32, #tpu.memory_space<hbm>>
    %dma_start3A_87 = arith.constant 0 : i32
    %dma_start3A_88 = tpu.memref_slice %arg4[%add3A_84, %dma_start3A_87] : memref<819200x128xf32, #tpu.memory_space<hbm>> -> memref<256x128xf32, #tpu.memory_space<hbm>>
    tpu.enqueue_dma source(%arg7 : memref<256x128xf32, #tpu.memory_space<vmem>>) target(%dma_start3A_88 : memref<256x128xf32, #tpu.memory_space<hbm>>) target_semaphore(%arg13 : memref<!tpu.dma_semaphore, #tpu.memory_space<semaphore_mem>>)
    %dma_wait3A_89 = arith.constant 0 : i32
    %dma_wait3A_90 = arith.constant 0 : i32
    %dma_wait3A_91 = tpu.memref_slice %arg4[%dma_wait3A_89, %dma_wait3A_90] : memref<819200x128xf32, #tpu.memory_space<hbm>> -> memref<256x128xf32, #tpu.memory_space<hbm>>
    %dma_wait3A_92 = arith.constant 0 : i32
    %dma_wait3A_93 = arith.constant 0 : i32
    %dma_wait3A_94 = tpu.memref_slice %arg4[%dma_wait3A_92, %dma_wait3A_93] : memref<819200x128xf32, #tpu.memory_space<hbm>> -> memref<256x128xf32, #tpu.memory_space<hbm>>
    tpu.wait_dma2 semaphore(%arg12 : memref<!tpu.dma_semaphore, #tpu.memory_space<semaphore_mem>>) src(%arg6 : memref<256x128xf32, #tpu.memory_space<vmem>>) dst(%dma_wait3A_94 : memref<256x128xf32, #tpu.memory_space<hbm>>)
    %dma_start3A_95 = arith.constant 6 : i32
    %dma_start3A_96 = arith.constant 0 : i32
    %dma_start3A_97 = arith.constant 0 : i32
    %dma_start3A_98 = tpu.memref_slice %arg6[%dma_start3A_96, %dma_start3A_97] : memref<256x128xf32, #tpu.memory_space<vmem>> -> memref<128x128xf32, #tpu.memory_space<vmem>>
    %dma_start3A_99 = arith.constant 0 : i32
    %dma_start3A_100 = tpu.memref_slice %arg5[%dma_start3A_95, %dma_start3A_99] : memref<200x128xi32, #tpu.memory_space<vmem>> -> memref<1x128xi32, #tpu.memory_space<vmem>>
    %dma_start3A_101 = tpu.memref_squeeze %dma_start3A_100 : memref<1x128xi32, #tpu.memory_space<vmem>> -> memref<128xi32, #tpu.memory_space<vmem>>
    %dma_start3A_102 = arith.constant 0 : i32
    %dma_start3A_103 = arith.constant 0 : i32
    %dma_start3A_104 = tpu.memref_slice %arg2[%dma_start3A_102, %dma_start3A_103] : memref<1000000x128xf32, #tpu.memory_space<hbm>> -> memref<1000000x128xf32, #tpu.memory_space<hbm>>
    tpu.enqueue_indirect_dma source(%dma_start3A_104 : memref<1000000x128xf32, #tpu.memory_space<hbm>>) target(%dma_start3A_98 : memref<128x128xf32, #tpu.memory_space<vmem>>) offsets(%dma_start3A_101 : memref<128xi32, #tpu.memory_space<vmem>>) semaphore(%arg9 : memref<!tpu.dma_semaphore, #tpu.memory_space<semaphore_mem>>)
    %dma_start3A_105 = arith.constant 7 : i32
    %dma_start3A_106 = arith.constant 128 : i32
    %dma_start3A_107 = arith.constant 0 : i32
    %dma_start3A_108 = tpu.memref_slice %arg6[%dma_start3A_106, %dma_start3A_107] : memref<256x128xf32, #tpu.memory_space<vmem>> -> memref<128x128xf32, #tpu.memory_space<vmem>>
    %dma_start3A_109 = arith.constant 0 : i32
    %dma_start3A_110 = tpu.memref_slice %arg5[%dma_start3A_105, %dma_start3A_109] : memref<200x128xi32, #tpu.memory_space<vmem>> -> memref<1x128xi32, #tpu.memory_space<vmem>>
    %dma_start3A_111 = tpu.memref_squeeze %dma_start3A_110 : memref<1x128xi32, #tpu.memory_space<vmem>> -> memref<128xi32, #tpu.memory_space<vmem>>
    %dma_start3A_112 = arith.constant 0 : i32
    %dma_start3A_113 = arith.constant 0 : i32
    %dma_start3A_114 = tpu.memref_slice %arg2[%dma_start3A_112, %dma_start3A_113] : memref<1000000x128xf32, #tpu.memory_space<hbm>> -> memref<1000000x128xf32, #tpu.memory_space<hbm>>
    tpu.enqueue_indirect_dma source(%dma_start3A_114 : memref<1000000x128xf32, #tpu.memory_space<hbm>>) target(%dma_start3A_108 : memref<128x128xf32, #tpu.memory_space<vmem>>) offsets(%dma_start3A_111 : memref<128xi32, #tpu.memory_space<vmem>>) semaphore(%arg9 : memref<!tpu.dma_semaphore, #tpu.memory_space<semaphore_mem>>)
    %dma_wait3A_115 = arith.constant 0 : i32
    %dma_wait3A_116 = arith.constant 0 : i32
    %dma_wait3A_117 = tpu.memref_slice %arg2[%dma_wait3A_115, %dma_wait3A_116] : memref<1000000x128xf32, #tpu.memory_space<hbm>> -> memref<256x128xf32, #tpu.memory_space<hbm>>
    %dma_wait3A_118 = arith.constant 0 : i32
    %dma_wait3A_119 = arith.constant 0 : i32
    %dma_wait3A_120 = tpu.memref_slice %arg2[%dma_wait3A_118, %dma_wait3A_119] : memref<1000000x128xf32, #tpu.memory_space<hbm>> -> memref<256x128xf32, #tpu.memory_space<hbm>>
    tpu.wait_dma2 semaphore(%arg11 : memref<!tpu.dma_semaphore, #tpu.memory_space<semaphore_mem>>) src(%dma_wait3A_120 : memref<256x128xf32, #tpu.memory_space<hbm>>) dst(%arg8 : memref<256x128xf32, #tpu.memory_space<vmem>>)
    %add3A_121 = arith.constant 512 : i32
    %add3A_122 = arith.addi %mul3A_4, %add3A_121 : i32
    %dma_start3A_123 = arith.constant 0 : i32
    %dma_start3A_124 = tpu.memref_slice %arg4[%add3A_122, %dma_start3A_123] : memref<819200x128xf32, #tpu.memory_space<hbm>> -> memref<256x128xf32, #tpu.memory_space<hbm>>
    %dma_start3A_125 = arith.constant 0 : i32
    %dma_start3A_126 = tpu.memref_slice %arg4[%add3A_122, %dma_start3A_125] : memref<819200x128xf32, #tpu.memory_space<hbm>> -> memref<256x128xf32, #tpu.memory_space<hbm>>
    tpu.enqueue_dma source(%arg8 : memref<256x128xf32, #tpu.memory_space<vmem>>) target(%dma_start3A_126 : memref<256x128xf32, #tpu.memory_space<hbm>>) target_semaphore(%arg14 : memref<!tpu.dma_semaphore, #tpu.memory_space<semaphore_mem>>)
    %dma_wait3A_127 = arith.constant 0 : i32
    %dma_wait3A_128 = arith.constant 0 : i32
    %dma_wait3A_129 = tpu.memref_slice %arg4[%dma_wait3A_127, %dma_wait3A_128] : memref<819200x128xf32, #tpu.memory_space<hbm>> -> memref<256x128xf32, #tpu.memory_space<hbm>>
    %dma_wait3A_130 = arith.constant 0 : i32
    %dma_wait3A_131 = arith.constant 0 : i32
    %dma_wait3A_132 = tpu.memref_slice %arg4[%dma_wait3A_130, %dma_wait3A_131] : memref<819200x128xf32, #tpu.memory_space<hbm>> -> memref<256x128xf32, #tpu.memory_space<hbm>>
    tpu.wait_dma2 semaphore(%arg13 : memref<!tpu.dma_semaphore, #tpu.memory_space<semaphore_mem>>) src(%arg7 : memref<256x128xf32, #tpu.memory_space<vmem>>) dst(%dma_wait3A_132 : memref<256x128xf32, #tpu.memory_space<hbm>>)
    %dma_start3A_133 = arith.constant 8 : i32
    %dma_start3A_134 = arith.constant 0 : i32
    %dma_start3A_135 = arith.constant 0 : i32
    %dma_start3A_136 = tpu.memref_slice %arg7[%dma_start3A_134, %dma_start3A_135] : memref<256x128xf32, #tpu.memory_space<vmem>> -> memref<128x128xf32, #tpu.memory_space<vmem>>
    %dma_start3A_137 = arith.constant 0 : i32
    %dma_start3A_138 = tpu.memref_slice %arg5[%dma_start3A_133, %dma_start3A_137] : memref<200x128xi32, #tpu.memory_space<vmem>> -> memref<1x128xi32, #tpu.memory_space<vmem>>
    %dma_start3A_139 = tpu.memref_squeeze %dma_start3A_138 : memref<1x128xi32, #tpu.memory_space<vmem>> -> memref<128xi32, #tpu.memory_space<vmem>>
    %dma_start3A_140 = arith.constant 0 : i32
    %dma_start3A_141 = arith.constant 0 : i32
    %dma_start3A_142 = tpu.memref_slice %arg2[%dma_start3A_140, %dma_start3A_141] : memref<1000000x128xf32, #tpu.memory_space<hbm>> -> memref<1000000x128xf32, #tpu.memory_space<hbm>>
    tpu.enqueue_indirect_dma source(%dma_start3A_142 : memref<1000000x128xf32, #tpu.memory_space<hbm>>) target(%dma_start3A_136 : memref<128x128xf32, #tpu.memory_space<vmem>>) offsets(%dma_start3A_139 : memref<128xi32, #tpu.memory_space<vmem>>) semaphore(%arg10 : memref<!tpu.dma_semaphore, #tpu.memory_space<semaphore_mem>>)
    %dma_start3A_143 = arith.constant 9 : i32
    %dma_start3A_144 = arith.constant 128 : i32
    %dma_start3A_145 = arith.constant 0 : i32
    %dma_start3A_146 = tpu.memref_slice %arg7[%dma_start3A_144, %dma_start3A_145] : memref<256x128xf32, #tpu.memory_space<vmem>> -> memref<128x128xf32, #tpu.memory_space<vmem>>
    %dma_start3A_147 = arith.constant 0 : i32
    %dma_start3A_148 = tpu.memref_slice %arg5[%dma_start3A_143, %dma_start3A_147] : memref<200x128xi32, #tpu.memory_space<vmem>> -> memref<1x128xi32, #tpu.memory_space<vmem>>
    %dma_start3A_149 = tpu.memref_squeeze %dma_start3A_148 : memref<1x128xi32, #tpu.memory_space<vmem>> -> memref<128xi32, #tpu.memory_space<vmem>>
    %dma_start3A_150 = arith.constant 0 : i32
    %dma_start3A_151 = arith.constant 0 : i32
    %dma_start3A_152 = tpu.memref_slice %arg2[%dma_start3A_150, %dma_start3A_151] : memref<1000000x128xf32, #tpu.memory_space<hbm>> -> memref<1000000x128xf32, #tpu.memory_space<hbm>>
    tpu.enqueue_indirect_dma source(%dma_start3A_152 : memref<1000000x128xf32, #tpu.memory_space<hbm>>) target(%dma_start3A_146 : memref<128x128xf32, #tpu.memory_space<vmem>>) offsets(%dma_start3A_149 : memref<128xi32, #tpu.memory_space<vmem>>) semaphore(%arg10 : memref<!tpu.dma_semaphore, #tpu.memory_space<semaphore_mem>>)
    %scan3A = arith.constant 0 : i32
    %scan3A_153 = arith.constant 1 : i32
    %scan3A_154 = arith.constant 32 : i32
    %scan3A_155 = arith.addi %scan3A_153, %scan3A_154 : i32
    %scan3A_156 = arith.constant 1 : i32
    scf.for %scan3A_182 = %scan3A_153 to %scan3A_155 step %scan3A_156  : i32 {
      %mul3A_183 = arith.constant 3 : i32
      %mul3A_184 = arith.muli %mul3A_183, %scan3A_182 : i32
      %add3A_185 = arith.constant 0 : i32
      %add3A_186 = arith.addi %mul3A_184, %add3A_185 : i32
      %dma_wait3A_187 = arith.constant 0 : i32
      %dma_wait3A_188 = arith.constant 0 : i32
      %dma_wait3A_189 = tpu.memref_slice %arg2[%dma_wait3A_187, %dma_wait3A_188] : memref<1000000x128xf32, #tpu.memory_space<hbm>> -> memref<256x128xf32, #tpu.memory_space<hbm>>
      %dma_wait3A_190 = arith.constant 0 : i32
      %dma_wait3A_191 = arith.constant 0 : i32
      %dma_wait3A_192 = tpu.memref_slice %arg2[%dma_wait3A_190, %dma_wait3A_191] : memref<1000000x128xf32, #tpu.memory_space<hbm>> -> memref<256x128xf32, #tpu.memory_space<hbm>>
      tpu.wait_dma2 semaphore(%arg9 : memref<!tpu.dma_semaphore, #tpu.memory_space<semaphore_mem>>) src(%dma_wait3A_192 : memref<256x128xf32, #tpu.memory_space<hbm>>) dst(%arg6 : memref<256x128xf32, #tpu.memory_space<vmem>>)
      %mul3A_193 = arith.constant 256 : i32
      %mul3A_194 = arith.muli %add3A_186, %mul3A_193 : i32
      %add3A_195 = arith.addi %mul3A_4, %mul3A_194 : i32
      %dma_start3A_196 = arith.constant 0 : i32
      %dma_start3A_197 = tpu.memref_slice %arg4[%add3A_195, %dma_start3A_196] : memref<819200x128xf32, #tpu.memory_space<hbm>> -> memref<256x128xf32, #tpu.memory_space<hbm>>
      %dma_start3A_198 = arith.constant 0 : i32
      %dma_start3A_199 = tpu.memref_slice %arg4[%add3A_195, %dma_start3A_198] : memref<819200x128xf32, #tpu.memory_space<hbm>> -> memref<256x128xf32, #tpu.memory_space<hbm>>
      tpu.enqueue_dma source(%arg6 : memref<256x128xf32, #tpu.memory_space<vmem>>) target(%dma_start3A_199 : memref<256x128xf32, #tpu.memory_space<hbm>>) target_semaphore(%arg12 : memref<!tpu.dma_semaphore, #tpu.memory_space<semaphore_mem>>)
      %dma_wait3A_200 = arith.constant 0 : i32
      %dma_wait3A_201 = arith.constant 0 : i32
      %dma_wait3A_202 = tpu.memref_slice %arg4[%dma_wait3A_200, %dma_wait3A_201] : memref<819200x128xf32, #tpu.memory_space<hbm>> -> memref<256x128xf32, #tpu.memory_space<hbm>>
      %dma_wait3A_203 = arith.constant 0 : i32
      %dma_wait3A_204 = arith.constant 0 : i32
      %dma_wait3A_205 = tpu.memref_slice %arg4[%dma_wait3A_203, %dma_wait3A_204] : memref<819200x128xf32, #tpu.memory_space<hbm>> -> memref<256x128xf32, #tpu.memory_space<hbm>>
      tpu.wait_dma2 semaphore(%arg14 : memref<!tpu.dma_semaphore, #tpu.memory_space<semaphore_mem>>) src(%arg8 : memref<256x128xf32, #tpu.memory_space<vmem>>) dst(%dma_wait3A_205 : memref<256x128xf32, #tpu.memory_space<hbm>>)
      %add3A_206 = arith.constant 2 : i32
      %add3A_207 = arith.addi %add3A_186, %add3A_206 : i32
      %lt3A = arith.constant 100 : i32
      %lt3A_208 = arith.cmpi slt, %add3A_207, %lt3A : i32
      %convert_element_type3A = arith.extui %lt3A_208 : i1 to i32
      %cond3A = arith.constant 0 : i32
      %cond3A_209 = arith.cmpi ne, %convert_element_type3A, %cond3A : i32
      scf.if %cond3A_209 {
        %add3A_270 = arith.constant 2 : i32
        %add3A_271 = arith.addi %add3A_186, %add3A_270 : i32
        %mul3A_272 = arith.constant 2 : i32
        %mul3A_273 = arith.muli %add3A_271, %mul3A_272 : i32
        %add3A_274 = arith.constant 0 : i32
        %add3A_275 = arith.addi %mul3A_273, %add3A_274 : i32
        %dma_start3A_276 = arith.constant 0 : i32
        %dma_start3A_277 = arith.constant 0 : i32
        %dma_start3A_278 = tpu.memref_slice %arg8[%dma_start3A_276, %dma_start3A_277] : memref<256x128xf32, #tpu.memory_space<vmem>> -> memref<128x128xf32, #tpu.memory_space<vmem>>
        %dma_start3A_279 = arith.constant 0 : i32
        %dma_start3A_280 = tpu.memref_slice %arg5[%add3A_275, %dma_start3A_279] : memref<200x128xi32, #tpu.memory_space<vmem>> -> memref<1x128xi32, #tpu.memory_space<vmem>>
        %dma_start3A_281 = tpu.memref_squeeze %dma_start3A_280 : memref<1x128xi32, #tpu.memory_space<vmem>> -> memref<128xi32, #tpu.memory_space<vmem>>
        %dma_start3A_282 = arith.constant 0 : i32
        %dma_start3A_283 = arith.constant 0 : i32
        %dma_start3A_284 = tpu.memref_slice %arg2[%dma_start3A_282, %dma_start3A_283] : memref<1000000x128xf32, #tpu.memory_space<hbm>> -> memref<1000000x128xf32, #tpu.memory_space<hbm>>
        tpu.enqueue_indirect_dma source(%dma_start3A_284 : memref<1000000x128xf32, #tpu.memory_space<hbm>>) target(%dma_start3A_278 : memref<128x128xf32, #tpu.memory_space<vmem>>) offsets(%dma_start3A_281 : memref<128xi32, #tpu.memory_space<vmem>>) semaphore(%arg11 : memref<!tpu.dma_semaphore, #tpu.memory_space<semaphore_mem>>)
        %mul3A_285 = arith.constant 2 : i32
        %mul3A_286 = arith.muli %add3A_271, %mul3A_285 : i32
        %add3A_287 = arith.constant 1 : i32
        %add3A_288 = arith.addi %mul3A_286, %add3A_287 : i32
        %dma_start3A_289 = arith.constant 128 : i32
        %dma_start3A_290 = arith.constant 0 : i32
        %dma_start3A_291 = tpu.memref_slice %arg8[%dma_start3A_289, %dma_start3A_290] : memref<256x128xf32, #tpu.memory_space<vmem>> -> memref<128x128xf32, #tpu.memory_space<vmem>>
        %dma_start3A_292 = arith.constant 0 : i32
        %dma_start3A_293 = tpu.memref_slice %arg5[%add3A_288, %dma_start3A_292] : memref<200x128xi32, #tpu.memory_space<vmem>> -> memref<1x128xi32, #tpu.memory_space<vmem>>
        %dma_start3A_294 = tpu.memref_squeeze %dma_start3A_293 : memref<1x128xi32, #tpu.memory_space<vmem>> -> memref<128xi32, #tpu.memory_space<vmem>>
        %dma_start3A_295 = arith.constant 0 : i32
        %dma_start3A_296 = arith.constant 0 : i32
        %dma_start3A_297 = tpu.memref_slice %arg2[%dma_start3A_295, %dma_start3A_296] : memref<1000000x128xf32, #tpu.memory_space<hbm>> -> memref<1000000x128xf32, #tpu.memory_space<hbm>>
        tpu.enqueue_indirect_dma source(%dma_start3A_297 : memref<1000000x128xf32, #tpu.memory_space<hbm>>) target(%dma_start3A_291 : memref<128x128xf32, #tpu.memory_space<vmem>>) offsets(%dma_start3A_294 : memref<128xi32, #tpu.memory_space<vmem>>) semaphore(%arg11 : memref<!tpu.dma_semaphore, #tpu.memory_space<semaphore_mem>>)
      } else {
      }
      %mul3A_210 = arith.constant 3 : i32
      %mul3A_211 = arith.muli %mul3A_210, %scan3A_182 : i32
      %add3A_212 = arith.constant 1 : i32
      %add3A_213 = arith.addi %mul3A_211, %add3A_212 : i32
      %dma_wait3A_214 = arith.constant 0 : i32
      %dma_wait3A_215 = arith.constant 0 : i32
      %dma_wait3A_216 = tpu.memref_slice %arg2[%dma_wait3A_214, %dma_wait3A_215] : memref<1000000x128xf32, #tpu.memory_space<hbm>> -> memref<256x128xf32, #tpu.memory_space<hbm>>
      %dma_wait3A_217 = arith.constant 0 : i32
      %dma_wait3A_218 = arith.constant 0 : i32
      %dma_wait3A_219 = tpu.memref_slice %arg2[%dma_wait3A_217, %dma_wait3A_218] : memref<1000000x128xf32, #tpu.memory_space<hbm>> -> memref<256x128xf32, #tpu.memory_space<hbm>>
      tpu.wait_dma2 semaphore(%arg10 : memref<!tpu.dma_semaphore, #tpu.memory_space<semaphore_mem>>) src(%dma_wait3A_219 : memref<256x128xf32, #tpu.memory_space<hbm>>) dst(%arg7 : memref<256x128xf32, #tpu.memory_space<vmem>>)
      %mul3A_220 = arith.constant 256 : i32
      %mul3A_221 = arith.muli %add3A_213, %mul3A_220 : i32
      %add3A_222 = arith.addi %mul3A_4, %mul3A_221 : i32
      %dma_start3A_223 = arith.constant 0 : i32
      %dma_start3A_224 = tpu.memref_slice %arg4[%add3A_222, %dma_start3A_223] : memref<819200x128xf32, #tpu.memory_space<hbm>> -> memref<256x128xf32, #tpu.memory_space<hbm>>
      %dma_start3A_225 = arith.constant 0 : i32
      %dma_start3A_226 = tpu.memref_slice %arg4[%add3A_222, %dma_start3A_225] : memref<819200x128xf32, #tpu.memory_space<hbm>> -> memref<256x128xf32, #tpu.memory_space<hbm>>
      tpu.enqueue_dma source(%arg7 : memref<256x128xf32, #tpu.memory_space<vmem>>) target(%dma_start3A_226 : memref<256x128xf32, #tpu.memory_space<hbm>>) target_semaphore(%arg13 : memref<!tpu.dma_semaphore, #tpu.memory_space<semaphore_mem>>)
      %dma_wait3A_227 = arith.constant 0 : i32
      %dma_wait3A_228 = arith.constant 0 : i32
      %dma_wait3A_229 = tpu.memref_slice %arg4[%dma_wait3A_227, %dma_wait3A_228] : memref<819200x128xf32, #tpu.memory_space<hbm>> -> memref<256x128xf32, #tpu.memory_space<hbm>>
      %dma_wait3A_230 = arith.constant 0 : i32
      %dma_wait3A_231 = arith.constant 0 : i32
      %dma_wait3A_232 = tpu.memref_slice %arg4[%dma_wait3A_230, %dma_wait3A_231] : memref<819200x128xf32, #tpu.memory_space<hbm>> -> memref<256x128xf32, #tpu.memory_space<hbm>>
      tpu.wait_dma2 semaphore(%arg12 : memref<!tpu.dma_semaphore, #tpu.memory_space<semaphore_mem>>) src(%arg6 : memref<256x128xf32, #tpu.memory_space<vmem>>) dst(%dma_wait3A_232 : memref<256x128xf32, #tpu.memory_space<hbm>>)
      %add3A_233 = arith.constant 2 : i32
      %add3A_234 = arith.addi %add3A_213, %add3A_233 : i32
      %lt3A_235 = arith.constant 100 : i32
      %lt3A_236 = arith.cmpi slt, %add3A_234, %lt3A_235 : i32
      %convert_element_type3A_237 = arith.extui %lt3A_236 : i1 to i32
      %cond3A_238 = arith.constant 0 : i32
      %cond3A_239 = arith.cmpi ne, %convert_element_type3A_237, %cond3A_238 : i32
      scf.if %cond3A_239 {
        %add3A_270 = arith.constant 2 : i32
        %add3A_271 = arith.addi %add3A_213, %add3A_270 : i32
        %mul3A_272 = arith.constant 2 : i32
        %mul3A_273 = arith.muli %add3A_271, %mul3A_272 : i32
        %add3A_274 = arith.constant 0 : i32
        %add3A_275 = arith.addi %mul3A_273, %add3A_274 : i32
        %dma_start3A_276 = arith.constant 0 : i32
        %dma_start3A_277 = arith.constant 0 : i32
        %dma_start3A_278 = tpu.memref_slice %arg6[%dma_start3A_276, %dma_start3A_277] : memref<256x128xf32, #tpu.memory_space<vmem>> -> memref<128x128xf32, #tpu.memory_space<vmem>>
        %dma_start3A_279 = arith.constant 0 : i32
        %dma_start3A_280 = tpu.memref_slice %arg5[%add3A_275, %dma_start3A_279] : memref<200x128xi32, #tpu.memory_space<vmem>> -> memref<1x128xi32, #tpu.memory_space<vmem>>
        %dma_start3A_281 = tpu.memref_squeeze %dma_start3A_280 : memref<1x128xi32, #tpu.memory_space<vmem>> -> memref<128xi32, #tpu.memory_space<vmem>>
        %dma_start3A_282 = arith.constant 0 : i32
        %dma_start3A_283 = arith.constant 0 : i32
        %dma_start3A_284 = tpu.memref_slice %arg2[%dma_start3A_282, %dma_start3A_283] : memref<1000000x128xf32, #tpu.memory_space<hbm>> -> memref<1000000x128xf32, #tpu.memory_space<hbm>>
        tpu.enqueue_indirect_dma source(%dma_start3A_284 : memref<1000000x128xf32, #tpu.memory_space<hbm>>) target(%dma_start3A_278 : memref<128x128xf32, #tpu.memory_space<vmem>>) offsets(%dma_start3A_281 : memref<128xi32, #tpu.memory_space<vmem>>) semaphore(%arg9 : memref<!tpu.dma_semaphore, #tpu.memory_space<semaphore_mem>>)
        %mul3A_285 = arith.constant 2 : i32
        %mul3A_286 = arith.muli %add3A_271, %mul3A_285 : i32
        %add3A_287 = arith.constant 1 : i32
        %add3A_288 = arith.addi %mul3A_286, %add3A_287 : i32
        %dma_start3A_289 = arith.constant 128 : i32
        %dma_start3A_290 = arith.constant 0 : i32
        %dma_start3A_291 = tpu.memref_slice %arg6[%dma_start3A_289, %dma_start3A_290] : memref<256x128xf32, #tpu.memory_space<vmem>> -> memref<128x128xf32, #tpu.memory_space<vmem>>
        %dma_start3A_292 = arith.constant 0 : i32
        %dma_start3A_293 = tpu.memref_slice %arg5[%add3A_288, %dma_start3A_292] : memref<200x128xi32, #tpu.memory_space<vmem>> -> memref<1x128xi32, #tpu.memory_space<vmem>>
        %dma_start3A_294 = tpu.memref_squeeze %dma_start3A_293 : memref<1x128xi32, #tpu.memory_space<vmem>> -> memref<128xi32, #tpu.memory_space<vmem>>
        %dma_start3A_295 = arith.constant 0 : i32
        %dma_start3A_296 = arith.constant 0 : i32
        %dma_start3A_297 = tpu.memref_slice %arg2[%dma_start3A_295, %dma_start3A_296] : memref<1000000x128xf32, #tpu.memory_space<hbm>> -> memref<1000000x128xf32, #tpu.memory_space<hbm>>
        tpu.enqueue_indirect_dma source(%dma_start3A_297 : memref<1000000x128xf32, #tpu.memory_space<hbm>>) target(%dma_start3A_291 : memref<128x128xf32, #tpu.memory_space<vmem>>) offsets(%dma_start3A_294 : memref<128xi32, #tpu.memory_space<vmem>>) semaphore(%arg9 : memref<!tpu.dma_semaphore, #tpu.memory_space<semaphore_mem>>)
      } else {
      }
      %mul3A_240 = arith.constant 3 : i32
      %mul3A_241 = arith.muli %mul3A_240, %scan3A_182 : i32
      %add3A_242 = arith.constant 2 : i32
      %add3A_243 = arith.addi %mul3A_241, %add3A_242 : i32
      %dma_wait3A_244 = arith.constant 0 : i32
      %dma_wait3A_245 = arith.constant 0 : i32
      %dma_wait3A_246 = tpu.memref_slice %arg2[%dma_wait3A_244, %dma_wait3A_245] : memref<1000000x128xf32, #tpu.memory_space<hbm>> -> memref<256x128xf32, #tpu.memory_space<hbm>>
      %dma_wait3A_247 = arith.constant 0 : i32
      %dma_wait3A_248 = arith.constant 0 : i32
      %dma_wait3A_249 = tpu.memref_slice %arg2[%dma_wait3A_247, %dma_wait3A_248] : memref<1000000x128xf32, #tpu.memory_space<hbm>> -> memref<256x128xf32, #tpu.memory_space<hbm>>
      tpu.wait_dma2 semaphore(%arg11 : memref<!tpu.dma_semaphore, #tpu.memory_space<semaphore_mem>>) src(%dma_wait3A_249 : memref<256x128xf32, #tpu.memory_space<hbm>>) dst(%arg8 : memref<256x128xf32, #tpu.memory_space<vmem>>)
      %mul3A_250 = arith.constant 256 : i32
      %mul3A_251 = arith.muli %add3A_243, %mul3A_250 : i32
      %add3A_252 = arith.addi %mul3A_4, %mul3A_251 : i32
      %dma_start3A_253 = arith.constant 0 : i32
      %dma_start3A_254 = tpu.memref_slice %arg4[%add3A_252, %dma_start3A_253] : memref<819200x128xf32, #tpu.memory_space<hbm>> -> memref<256x128xf32, #tpu.memory_space<hbm>>
      %dma_start3A_255 = arith.constant 0 : i32
      %dma_start3A_256 = tpu.memref_slice %arg4[%add3A_252, %dma_start3A_255] : memref<819200x128xf32, #tpu.memory_space<hbm>> -> memref<256x128xf32, #tpu.memory_space<hbm>>
      tpu.enqueue_dma source(%arg8 : memref<256x128xf32, #tpu.memory_space<vmem>>) target(%dma_start3A_256 : memref<256x128xf32, #tpu.memory_space<hbm>>) target_semaphore(%arg14 : memref<!tpu.dma_semaphore, #tpu.memory_space<semaphore_mem>>)
      %dma_wait3A_257 = arith.constant 0 : i32
      %dma_wait3A_258 = arith.constant 0 : i32
      %dma_wait3A_259 = tpu.memref_slice %arg4[%dma_wait3A_257, %dma_wait3A_258] : memref<819200x128xf32, #tpu.memory_space<hbm>> -> memref<256x128xf32, #tpu.memory_space<hbm>>
      %dma_wait3A_260 = arith.constant 0 : i32
      %dma_wait3A_261 = arith.constant 0 : i32
      %dma_wait3A_262 = tpu.memref_slice %arg4[%dma_wait3A_260, %dma_wait3A_261] : memref<819200x128xf32, #tpu.memory_space<hbm>> -> memref<256x128xf32, #tpu.memory_space<hbm>>
      tpu.wait_dma2 semaphore(%arg13 : memref<!tpu.dma_semaphore, #tpu.memory_space<semaphore_mem>>) src(%arg7 : memref<256x128xf32, #tpu.memory_space<vmem>>) dst(%dma_wait3A_262 : memref<256x128xf32, #tpu.memory_space<hbm>>)
      %add3A_263 = arith.constant 2 : i32
      %add3A_264 = arith.addi %add3A_243, %add3A_263 : i32
      %lt3A_265 = arith.constant 100 : i32
      %lt3A_266 = arith.cmpi slt, %add3A_264, %lt3A_265 : i32
      %convert_element_type3A_267 = arith.extui %lt3A_266 : i1 to i32
      %cond3A_268 = arith.constant 0 : i32
      %cond3A_269 = arith.cmpi ne, %convert_element_type3A_267, %cond3A_268 : i32
      scf.if %cond3A_269 {
        %add3A_270 = arith.constant 2 : i32
        %add3A_271 = arith.addi %add3A_243, %add3A_270 : i32
        %mul3A_272 = arith.constant 2 : i32
        %mul3A_273 = arith.muli %add3A_271, %mul3A_272 : i32
        %add3A_274 = arith.constant 0 : i32
        %add3A_275 = arith.addi %mul3A_273, %add3A_274 : i32
        %dma_start3A_276 = arith.constant 0 : i32
        %dma_start3A_277 = arith.constant 0 : i32
        %dma_start3A_278 = tpu.memref_slice %arg7[%dma_start3A_276, %dma_start3A_277] : memref<256x128xf32, #tpu.memory_space<vmem>> -> memref<128x128xf32, #tpu.memory_space<vmem>>
        %dma_start3A_279 = arith.constant 0 : i32
        %dma_start3A_280 = tpu.memref_slice %arg5[%add3A_275, %dma_start3A_279] : memref<200x128xi32, #tpu.memory_space<vmem>> -> memref<1x128xi32, #tpu.memory_space<vmem>>
        %dma_start3A_281 = tpu.memref_squeeze %dma_start3A_280 : memref<1x128xi32, #tpu.memory_space<vmem>> -> memref<128xi32, #tpu.memory_space<vmem>>
        %dma_start3A_282 = arith.constant 0 : i32
        %dma_start3A_283 = arith.constant 0 : i32
        %dma_start3A_284 = tpu.memref_slice %arg2[%dma_start3A_282, %dma_start3A_283] : memref<1000000x128xf32, #tpu.memory_space<hbm>> -> memref<1000000x128xf32, #tpu.memory_space<hbm>>
        tpu.enqueue_indirect_dma source(%dma_start3A_284 : memref<1000000x128xf32, #tpu.memory_space<hbm>>) target(%dma_start3A_278 : memref<128x128xf32, #tpu.memory_space<vmem>>) offsets(%dma_start3A_281 : memref<128xi32, #tpu.memory_space<vmem>>) semaphore(%arg10 : memref<!tpu.dma_semaphore, #tpu.memory_space<semaphore_mem>>)
        %mul3A_285 = arith.constant 2 : i32
        %mul3A_286 = arith.muli %add3A_271, %mul3A_285 : i32
        %add3A_287 = arith.constant 1 : i32
        %add3A_288 = arith.addi %mul3A_286, %add3A_287 : i32
        %dma_start3A_289 = arith.constant 128 : i32
        %dma_start3A_290 = arith.constant 0 : i32
        %dma_start3A_291 = tpu.memref_slice %arg7[%dma_start3A_289, %dma_start3A_290] : memref<256x128xf32, #tpu.memory_space<vmem>> -> memref<128x128xf32, #tpu.memory_space<vmem>>
        %dma_start3A_292 = arith.constant 0 : i32
        %dma_start3A_293 = tpu.memref_slice %arg5[%add3A_288, %dma_start3A_292] : memref<200x128xi32, #tpu.memory_space<vmem>> -> memref<1x128xi32, #tpu.memory_space<vmem>>
        %dma_start3A_294 = tpu.memref_squeeze %dma_start3A_293 : memref<1x128xi32, #tpu.memory_space<vmem>> -> memref<128xi32, #tpu.memory_space<vmem>>
        %dma_start3A_295 = arith.constant 0 : i32
        %dma_start3A_296 = arith.constant 0 : i32
        %dma_start3A_297 = tpu.memref_slice %arg2[%dma_start3A_295, %dma_start3A_296] : memref<1000000x128xf32, #tpu.memory_space<hbm>> -> memref<1000000x128xf32, #tpu.memory_space<hbm>>
        tpu.enqueue_indirect_dma source(%dma_start3A_297 : memref<1000000x128xf32, #tpu.memory_space<hbm>>) target(%dma_start3A_291 : memref<128x128xf32, #tpu.memory_space<vmem>>) offsets(%dma_start3A_294 : memref<128xi32, #tpu.memory_space<vmem>>) semaphore(%arg10 : memref<!tpu.dma_semaphore, #tpu.memory_space<semaphore_mem>>)
      } else {
      }
    }
    %scan3A_157 = arith.constant 32 : i32
    %dma_wait3A_158 = arith.constant 0 : i32
    %dma_wait3A_159 = arith.constant 0 : i32
    %dma_wait3A_160 = tpu.memref_slice %arg2[%dma_wait3A_158, %dma_wait3A_159] : memref<1000000x128xf32, #tpu.memory_space<hbm>> -> memref<256x128xf32, #tpu.memory_space<hbm>>
    %dma_wait3A_161 = arith.constant 0 : i32
    %dma_wait3A_162 = arith.constant 0 : i32
    %dma_wait3A_163 = tpu.memref_slice %arg2[%dma_wait3A_161, %dma_wait3A_162] : memref<1000000x128xf32, #tpu.memory_space<hbm>> -> memref<256x128xf32, #tpu.memory_space<hbm>>
    tpu.wait_dma2 semaphore(%arg9 : memref<!tpu.dma_semaphore, #tpu.memory_space<semaphore_mem>>) src(%dma_wait3A_163 : memref<256x128xf32, #tpu.memory_space<hbm>>) dst(%arg6 : memref<256x128xf32, #tpu.memory_space<vmem>>)
    %add3A_164 = arith.constant 25344 : i32
    %add3A_165 = arith.addi %mul3A_4, %add3A_164 : i32
    %dma_start3A_166 = arith.constant 0 : i32
    %dma_start3A_167 = tpu.memref_slice %arg4[%add3A_165, %dma_start3A_166] : memref<819200x128xf32, #tpu.memory_space<hbm>> -> memref<256x128xf32, #tpu.memory_space<hbm>>
    %dma_start3A_168 = arith.constant 0 : i32
    %dma_start3A_169 = tpu.memref_slice %arg4[%add3A_165, %dma_start3A_168] : memref<819200x128xf32, #tpu.memory_space<hbm>> -> memref<256x128xf32, #tpu.memory_space<hbm>>
    tpu.enqueue_dma source(%arg6 : memref<256x128xf32, #tpu.memory_space<vmem>>) target(%dma_start3A_169 : memref<256x128xf32, #tpu.memory_space<hbm>>) target_semaphore(%arg12 : memref<!tpu.dma_semaphore, #tpu.memory_space<semaphore_mem>>)
    %dma_wait3A_170 = arith.constant 0 : i32
    %dma_wait3A_171 = arith.constant 0 : i32
    %dma_wait3A_172 = tpu.memref_slice %arg4[%dma_wait3A_170, %dma_wait3A_171] : memref<819200x128xf32, #tpu.memory_space<hbm>> -> memref<256x128xf32, #tpu.memory_space<hbm>>
    %dma_wait3A_173 = arith.constant 0 : i32
    %dma_wait3A_174 = arith.constant 0 : i32
    %dma_wait3A_175 = tpu.memref_slice %arg4[%dma_wait3A_173, %dma_wait3A_174] : memref<819200x128xf32, #tpu.memory_space<hbm>> -> memref<256x128xf32, #tpu.memory_space<hbm>>
    tpu.wait_dma2 semaphore(%arg14 : memref<!tpu.dma_semaphore, #tpu.memory_space<semaphore_mem>>) src(%arg8 : memref<256x128xf32, #tpu.memory_space<vmem>>) dst(%dma_wait3A_175 : memref<256x128xf32, #tpu.memory_space<hbm>>)
    %dma_wait3A_176 = arith.constant 0 : i32
    %dma_wait3A_177 = arith.constant 0 : i32
    %dma_wait3A_178 = tpu.memref_slice %arg4[%dma_wait3A_176, %dma_wait3A_177] : memref<819200x128xf32, #tpu.memory_space<hbm>> -> memref<256x128xf32, #tpu.memory_space<hbm>>
    %dma_wait3A_179 = arith.constant 0 : i32
    %dma_wait3A_180 = arith.constant 0 : i32
    %dma_wait3A_181 = tpu.memref_slice %arg4[%dma_wait3A_179, %dma_wait3A_180] : memref<819200x128xf32, #tpu.memory_space<hbm>> -> memref<256x128xf32, #tpu.memory_space<hbm>>
    tpu.wait_dma2 semaphore(%arg12 : memref<!tpu.dma_semaphore, #tpu.memory_space<semaphore_mem>>) src(%arg6 : memref<256x128xf32, #tpu.memory_space<vmem>>) dst(%dma_wait3A_181 : memref<256x128xf32, #tpu.memory_space<hbm>>)
    return
  }
}

</mosaic_0001>

<sc_bundles>
// kernel: kernel.3.cloned.1.call-start
scs
__scs_entry_jumppad:
0x0: {  	(pc) =	sbr.rel $0x88, $3  }
0x1: {  	(tag) =	ssettag $0x0;
	lr =	simm.s32 $0x1  }
0x2: {  	[smem:$0x3F9F] =	sst lr;
	_ =	strace $0xD0000000  }
0x3: {  	_ = 	snop  }
0x4: {  	_ = 	snop  }
0x5: {  	_ = 	snop  }
0x6: {  	_ = 	snop  }
0x7: {  	_ = 	snop  }
__scs_overlays_trampoline_lowered:
0x8: {  	[smem:$0x3FAE] =	sst s0  }
0x9: {  	[smem:$0x3FAF] =	sst s1  }
0xa: {  	[smem:$0x3FB0] =	sst s2  }
0xb: {  	[smem:$0x3FB1] =	sst s3  }
0xc: {  	[smem:$0x3FB2] =	sst s4  }
0xd: {  	[smem:$0x3FB3] =	sst s5  }
0xe: {  	[smem:$0x3FB4] =	sst s6  }
0xf: {  	[smem:$0x3FB5] =	sst s7  }
0x10: {  	[smem:$0x3FB6] =	sst s8  }
0x11: {  	[smem:$0x3FB7] =	sst s9;
	s0 =	simm.s32 @!p0 $0x0  }
0x12: {  	s1 =	sld [smem:$0x3F9D];
	s0 =	simm.s32 @p0 $0x1  }
0x13: {  	[smem:$0x3FB8] =	sst s0;
	s0 =	simm.s32 @!p1 $0x0  }
0x14: {  	s2 =	sld [smem:$0x3F9C];
	s0 =	simm.s32 @p1 $0x1  }
0x15: {  	[smem:$0x3FB9] =	sst s0;
	s0 =	simm.s32 @!p2 $0x0  }
0x16: {  	s3 =	sld [smem:$0x3FDB];
	s0 =	simm.s32 @p2 $0x1  }
0x17: {  	s4 =	simm.s32 $0x1BF5;
	[smem:$0x3FBB] =	sst s0  }
0x18: {  	s0 =	sld [smem:$0x3F9E];
	_ =	swait.ge [sflag:s4], $0x0  }
0x19: {  	s7 =	sld [smem:$0x3F9F]  }
0x1a: {  	s8 =	sadd.s32 $0xFFFFE003, lr  }
0x1b: {  	s9 =	sadd.s32 $0xFFFFFEF7, lr;
	s5 =	simm.s32 $0xFFFFFFFF;
	p2 =	slt.u32 s8, $0xFFFFF086  }
0x1c: {  	p1 =	slt.u32 s9, $0xF7A;
	s5 =	simm.s32 @!p2 $0x0  }
0x1d: {  	s5 =	simm.s32 @p1 $0x1;
	p0 =	seq.s32 s7, s2  }
0x1e: {  	s7 =	smul.u32 @!p0 $0xF7A, s2;
	p2 =	seq.s32 @!p0 s5, $0x0  }
0x1f: {  	s9 =	smul.u32 $0xF7A, s1;
	s8 =	simm.s32 @!p0 $0x1BF5;
	p2 =	por !p2, p0  }
0x20: {  	[sflag:s8] =	ssyncset.s32 @!p0 $0xFFFFF086;
	s6 =	sadd.s32 @!p0 s3, s7;
	s7 =	simm.s32 @!p0 $0x108  }
0x21: {  	s3 =	sadd.s32 s3, s9;
	s6 =	sadd.s32 @!p0 $0x88, s6;
	s7 =	simm.s32 @p2 $0x1082  }
0x22: {  	[simem:s7], [sflag:s8] =	dma.local @!p0 [hbm:s6], $0xF7A  }
0x23: {  	s9 =	sor.u32 $0xD0000000, s2;
	s6 =	simm.s32 $0x108;
	_ =	swait.ge @!p0 [sflag:s8], $0x0  }
0x24: {  	s3 =	sadd.s32 $0x88, s3;
	s6 =	simm.s32 @!p1 $0x1082;
	[sflag:s4] =	ssyncset.s32 $0xFFFFF086  }
0x25: {  	[simem:s6], [sflag:s4] =	dma.local [hbm:s3], $0xF7A  }
0x26: {  	[smem:$0x3F9F] =	sst s1;
	(tag) =	ssettag s2;
	_ =	strace s9  }
0x27: {  	s1 =	sld [smem:$0x3FAF]  }
0x28: {  	s2 =	sld [smem:$0x3FB0]  }
0x29: {  	s4 =	sld [smem:$0x3FB2]  }
0x2a: {  	p0 =	seq.s32 s5, $0x0;
	s5 =	sld [smem:$0x3FB3]  }
0x2b: {  	s6 =	sld [smem:$0x3FB4]  }
0x2c: {  	s7 =	sld [smem:$0x3FB5]  }
0x2d: {  	s3 =	simm.s32 $0x108;
	s8 =	sld [smem:$0x3FB6]  }
0x2e: {  	s3 =	simm.s32 @!p0 $0x1082;
	s9 =	sld [smem:$0x3FB7]  }
0x2f: {  	lr =	sadd.s32 s0, s3;
	s0 =	sld [smem:$0x3FAE]  }
0x30: {  	s3 =	sld [smem:$0x3FB1]  }
0x31: {  	[smem:$0x3FBA] =	sst s10  }
0x32: {  	s10 =	sld [smem:$0x3FB8];
	_ =	sdelay $0x3  }
0x33: {  	p0 =	seq.s32 s10, $0x1;
	s10 =	sld [smem:$0x3FBA];
	_ =	sdelay $0x3  }
0x34: {  	[smem:$0x3FBA] =	sst s10  }
0x35: {  	s10 =	sld [smem:$0x3FB9];
	_ =	sdelay $0x3  }
0x36: {  	p1 =	seq.s32 s10, $0x1;
	s10 =	sld [smem:$0x3FBA];
	_ =	sdelay $0x3  }
0x37: {  	[smem:$0x3FBA] =	sst s10  }
0x38: {  	s10 =	sld [smem:$0x3FBB]  }
0x39: {  	_ = 	snop;
	(pc) =	sbr.ind lr, $3  }
0x3a: {  	_ = 	snop  }
0x3b: {  	_ = 	snop  }
0x3c: {  	p2 =	seq.s32 s10, $0x1;
	s10 =	sld [smem:$0x3FBA]  }
0x3d: {  	_ =	shalt  }
0x3e: {  	_ =	shalt  }
0x3f: {  	_ =	shalt  }
0x40: {  	_ =	shalt  }
0x41: {  	_ =	shalt  }
0x42: {  	_ =	shalt  }
0x43: {  	_ =	shalt  }
0x44: {  	_ =	shalt  }
0x45: {  	_ =	shalt  }
0x46: {  	_ =	shalt  }
0x47: {  	_ =	shalt  }
0x48: {  	_ =	shalt  }
0x49: {  	_ =	shalt  }
0x4a: {  	_ =	shalt  }
0x4b: {  	_ =	shalt  }
0x4c: {  	_ =	shalt  }
0x4d: {  	_ =	shalt  }
0x4e: {  	_ =	shalt  }
0x4f: {  	_ =	shalt  }
0x50: {  	_ =	shalt  }
0x51: {  	_ =	shalt  }
0x52: {  	_ =	shalt  }
0x53: {  	_ =	shalt  }
0x54: {  	_ =	shalt  }
0x55: {  	_ =	shalt  }
0x56: {  	_ =	shalt  }
0x57: {  	_ =	shalt  }
0x58: {  	_ =	shalt  }
0x59: {  	_ =	shalt  }
0x5a: {  	_ =	shalt  }
0x5b: {  	_ =	shalt  }
0x5c: {  	_ =	shalt  }
0x5d: {  	_ =	shalt  }
0x5e: {  	_ =	shalt  }
0x5f: {  	_ =	shalt  }
0x60: {  	_ =	shalt  }
0x61: {  	_ =	shalt  }
0x62: {  	_ =	shalt  }
0x63: {  	_ =	shalt  }
0x64: {  	_ =	shalt  }
0x65: {  	_ =	shalt  }
0x66: {  	_ =	shalt  }
0x67: {  	_ =	shalt  }
0x68: {  	_ =	shalt  }
0x69: {  	_ =	shalt  }
0x6a: {  	_ =	shalt  }
0x6b: {  	_ =	shalt  }
0x6c: {  	_ =	shalt  }
0x6d: {  	_ =	shalt  }
0x6e: {  	_ =	shalt  }
0x6f: {  	_ =	shalt  }
0x70: {  	_ =	shalt  }
0x71: {  	_ =	shalt  }
0x72: {  	_ =	shalt  }
0x73: {  	_ =	shalt  }
0x74: {  	_ =	shalt  }
0x75: {  	_ =	shalt  }
0x76: {  	_ =	shalt  }
0x77: {  	_ =	shalt  }
0x78: {  	_ =	shalt  }
0x79: {  	_ =	shalt  }
0x7a: {  	_ =	shalt  }
0x7b: {  	_ =	shalt  }
0x7c: {  	_ =	shalt  }
0x7d: {  	_ =	shalt  }
0x7e: {  	_ =	shalt  }
0x7f: {  	_ =	shalt  }
0x80: {  	_ =	shalt  }
0x81: {  	_ =	shalt  }
0x82: {  	_ =	shalt  }
0x83: {  	_ =	shalt  }
0x84: {  	_ =	shalt  }
0x85: {  	_ =	shalt  }
0x86: {  	_ =	shalt  }
0x87: {  	_ =	shalt  }
.Lfunc_end0:
.L_simem_size_0:
called_computation.1_lowered:
.L_overlay_start_0:
0x88: {  	s2 =	sld [smem:$0x3FD9]  }
0x89: {  	s3 =	sld [smem:$0x3FFE];
	_ =	sdelay $0x1  }
0x8a: {  	s1 =	srdreg.scid  }
0x8b: {  	s0 =	sand.u32 $0x1, s1  }
0x8c: {  	s17 =	sshll.u32 s0, $0xA;
	s2 =	sadd.s32 s3, s2  }
0x8d: {  	s2 =	sadd.s32 s2, s17  }
0x8e: {  	[smem:$0x3FC6] =	sst s2  }
0x8f: {  	_ = 	snop  }
0x90: {  	s2 =	sld [smem:$0x3FD0];
	(tm) =	ssettm $0x1  }
0x91: {  	s18 =	sld [smem:$0x3FFB];
	_ =	sdelay $0x3  }
0x92: {  	_ =	strace s18  }
0x93: {  	s3 =	sld [smem:$0x3FFC];
	_ =	sdelay $0x3  }
0x94: {  	_ =	strace s3  }
0x95: {  	s3 =	sld [smem:$0x3FFD];
	_ =	sdelay $0x3  }
0x96: {  	_ =	strace s3  }
0x97: {  	_ =	strace $0x8FFFFFFF  }
0x98: {  	s19 =	sld [smem:$0x3FDB];
	_ =	sdelay $0x1  }
0x99: {  	s4 =	simm.s32 $_scs_section_size  }
0x9a: {  	s5 =	simm.s32 $_size__tile_overlayer_lowered;
	s6 =	simm.s32 $_tile_overlayer_lowered  }
0x9b: {  	s22 =	simm.s32 $0x1BFF;
	s21 =	sshll.u32 s6, $0x1;
	s3 =	sadd.s32 s4, s19  }
0x9c: {  	s7 =	simm.s32 $0x0;
	s20 =	sshll.u32 s5, $0x1;
	s5 =	sadd.s32 s21, s3  }
0x9d: {  	[timem:s7], [sflag:s22] =	dma.local [hbm:s5], s20  }
0x9e: {  	_ =	swait.ge [sflag:s22], s20  }
0x9f: {  	s4 =	ssub.s32 $0x0, s20;
	[sflag:s22] =	ssyncset.done $0x0  }
0xa0: {  	[sflag:s22] =	ssyncadd.s32 s4;
	_ =	sdelay $0x1  }
0xa1: {  	s23 =	simm.s32 $0x1B8B  }
0xa2: {  	_ =	swait.ge [sflag:s23], $0x1  }
0xa3: {  	[sflag:s23] =	ssyncset.done $0x0  }
0xa4: {  	s25 =	simm.s32 $0x1B8E;
	s24 =	sld [smem:$0x3FFE];
	[sflag:s23] =	ssyncadd.s32 $0xFFFFFFFF  }
0xa5: {  	s26 =	simm.s32 $execute0_lowered;
	[smem:$0x3FD2] =	sst s25  }
0xa6: {  	s5 =	sshll.u32 s26, $0x1;
	_ =	strace $0x80000046;
	[dreg:$0x1] =	wrdreg $0xFFFFFFFF  }
0xa7: {  	s28 =	simm.s32 $_size_execute0_lowered;
	s3 =	sadd.s32 s3, s5;
	[dreg:$0x0] =	wrdreg $0x0  }
0xa8: {  	s5 =	sshll.u32 s28, $0x1;
	[dreg:$0x2] =	wrdreg s3  }
0xa9: {  	[dreg:$0x3] =	wrdreg s5  }
0xaa: {  	[dreg:$0x4] =	wrdreg $0xC0  }
0xab: {  	_ =	task [dreg:s7], $0x5FFFF  }
0xac: {  	[dreg:$0x1] =	wrdreg $0xFFFFFFFF  }
0xad: {  	[dreg:$0x0] =	wrdreg $0x60  }
0xae: {  	[dreg:$0x2] =	wrdreg s24  }
0xaf: {  	[dreg:$0x3] =	wrdreg s2  }
0xb0: {  	[dreg:$0x4] =	wrdreg $0x9  }
0xb1: {  	_ =	task.clear_ibuf [dreg:s7], $0x5FFFF;
	_ =	strace $0x90000046  }
0xb2: {  	s29 =	simm.s32 $0x9;
	_ =	strace $0x80000048  }
0xb3: {  	_ =	swait.ge [sflag:s29], $0x1  }
0xb4: {  	[sflag:s29] =	ssyncadd.s32 $0xFFFFFFFF  }
0xb5: {  	_ =	strace $0x90000048  }
0xb6: {  	_ =	sfence  }
0xb7: {  	s30 =	sld [smem:$0x0];
	_ =	sdelay $0x2  }
0xb8: {  	s31 =	sshll.u32 s1, $0xD;
	s1 =	sshrl.u32 s1, $0x2  }
0xb9: {  	s3 =	sand.u32 $0x4000, s31;
	s1 =	sadd.s32 s1, s30  }
0xba: {  	s0 =	sor.u32 s3, s0;
	s1 =	sshll.u32 s1, $0x11  }
0xbb: {  	s0 =	sor.u32 s1, s0  }
0xbc: {  	s0 =	sadd.s32 $0x8F2B, s0  }
0xbd: {  	[sflag:s0] =	ssyncadd.remote.s32 $0x1  }
0xbe: {  	_ =	sfence.sel $0xFFFF  }
0xbf: {  	[dreg:$0x0] =	wrdreg $0xFFFFFFFF;
	(pc) =	sbr.abs _section_cstart, $3  }
0xc0: {  	[dreg:$0x1] =	wrdreg $0xFFFFFFFF  }
0xc1: {  	_ =	task.clear_ibuf [dreg:s7], $0x2FFFF;
	_ =	strace $0x9FFFFFFF  }
0xc2: {  	(tm) =	ssettm $0x7FFFFFFF  }
0xc3: {  	_ =	shalt  }
tec
execute0_lowered:
.L_overlay_start_1:
0x0: {  	(tag) =	ssettag $0x1  }
0x1: {  	s0 =	rddreg [dreg:$0x0]  }
0x2: {  	s1 =	srdreg.scid;
	s12 =	stileid.u32  }
0x3: {  	s4 =	rddreg [dreg:$0x1];
	s2 =	simm.s32 $0x0;
	s15 =	simm.s32 $0x7  }
0x4: {  	s16 =	simm.s32 $0x80;
	s17 =	simm.s32 $0x6400;
	s18 =	simm.s32 $0xA400  }
0x5: {  	s20 =	simm.s32 $0xE400;
	s22 =	simm.s32 $0x12400;
	s23 =	simm.s32 $0x1  }
0x6: {  	s28 =	simm.s32 $0x1A400;
	s29 =	simm.s32 $0x2;
	s25 =	smul.u32 $0x640000, s12  }
0x7: {  	s1 =	sand.u32 $0x1, s1;
	s3 =	sshll.u32 s12, $0x1;
	s12 =	smul.u32 $0xC8000, s12  }
0x8: {  	s30 =	simm.s32 $0x4;
	[smem:$0x7FF] =	sst s2;
	s11 =	smul.u32 $0x320000, s1  }
0x9: {  	s5 =	sor.u32 s1, s3;
	s7 =	ssub.s32 $0x2, s1;
	s1 =	smul.u32 $0x64000, s1  }
0xa: {  	s19 =	simm.s32 $0x5;
	_ =	strace $0x80000047;
	s6 =	smul.u32 $0xC80, s5  }
0xb: {  	s31 =	simm.s32 $0x0;
	s3 =	sadd.s32 $0xF42E00, s0;
	s8 =	smul.u32 $0x64000, s5  }
0xc: {  	s0 =	sadd.s32 $0xA00, s0;
	s9 =	sshrl.u32 s7, $0x1;
	s10 =	smul.u32 $0x320000, s5  }
0xd: {  	s12 =	sadd.s32 s12, s0;
	s9 =	ssub.s32 s7, s9;
	s11 =	sadd.s32 s11, s25  }
0xe: {  	s1 =	sadd.s32 s1, s12;
	s25 =	simm.s32 $0x16400;
	s4 =	sadd.s32 s4, s6  }
0xf: {  	s5 =	sadd.s32 s0, s8;
	s24 =	sshrl.u32 s10, $0x3;
	s9 =	smax.u32 s9, $0x1  }
0x10: {  	s13 =	sadd.s32 $0x28000, s11;
	[dreg:$0x3] =	wrdreg s4;
	s26 =	sadd.s32 $0x1000, s5  }
0x11: {  	s4 =	sadd.s32 s0, s24;
	s7 =	sadd.s32 $0x2000, s5;
	s10 =	sadd.s32 $0x60000, s5  }
0x12: {  	s11 =	sadd.s32 $0x61000, s5;
	s14 =	sshrl.u32 s13, $0x3;
	s13 =	sadd.s32 $0x4000, s1  }
0x13: {  	[dreg:$0x4] =	wrdreg s26;
	s8 =	sadd.s32 $0x63000, s4;
	s12 =	sadd.s32 $0x62000, s4  }
0x14: {  	s14 =	sadd.s32 s14, s0;
	s0 =	simm.s32 $0x3;
	s26 =	simm.s32 $0x6  }
.LBB2_1:
0x15: {  	s1 =	rddreg [dreg:$0x3]  }
0x16: {  	[tilespmem:s2], [sflag:$0x7] =	stream.linear.gather [hbm4b:s1+s2], $0x6400, $0x38;
	[tilespmem:$0x1E400] =	vst v63  }
0x17: {  	_ =	swait.ge [sflag:s15], $0x6400  }
0x18: {  	[sflag:s15] =	ssyncset.done $0x0  }
0x19: {  	[sflag:s15] =	ssyncadd.s32 $0xFFFF9C00  }
0x1a: {  	[tilespmem:s17], [sflag:$0x1] =	stream.indirect.gather [hbm4b:s3+s16], $0x80, s2, s16, $0xb8;
	[tilespmem:$0x1E400] =	vst v63  }
0x1b: {  	_ = 	snop  }
0x1c: {  	[tilespmem:s18], [sflag:$0x1] =	stream.indirect.gather [hbm4b:s3+s16], $0x80, s16, s16, $0xb8;
	[tilespmem:$0x1E400] =	vst v63  }
0x1d: {  	s6 =	simm.s32 $0x100  }
0x1e: {  	[tilespmem:s20], [sflag:$0x2] =	stream.indirect.gather [hbm4b:s3+s16], $0x80, s6, s16, $0xb8;
	[tilespmem:$0x1E400] =	vst v63  }
0x1f: {  	s21 =	simm.s32 $0x180  }
0x20: {  	[tilespmem:s22], [sflag:$0x2] =	stream.indirect.gather [hbm4b:s3+s16], $0x80, s21, s16, $0xb8;
	[tilespmem:$0x1E400] =	vst v63  }
0x21: {  	_ =	swait.ge [sflag:s23], $0x8000  }
0x22: {  	[sflag:s23] =	ssyncset.done $0x0  }
0x23: {  	[sflag:s23] =	ssyncadd.s32 $0xFFFF8000  }
0x24: {  	[hbm4b:s5+s2] =	stream.linear.scatter [tilespmem:s17], [sflag:$0x4], $0x8000, $0x38;
	[tilespmem:$0x1E400] =	vst v63  }
0x25: {  	s24 =	simm.s32 $0x200  }
0x26: {  	[tilespmem:s25], [sflag:$0x3] =	stream.indirect.gather [hbm4b:s3+s16], $0x80, s24, s16, $0xb8;
	[tilespmem:$0x1E400] =	vst v63  }
0x27: {  	s4 =	simm.s32 $0x280  }
0x28: {  	[tilespmem:s28], [sflag:$0x3] =	stream.indirect.gather [hbm4b:s3+s16], $0x80, s4, s16, $0xb8;
	[tilespmem:$0x1E400] =	vst v63  }
0x29: {  	_ =	swait.ge [sflag:s29], $0x8000  }
0x2a: {  	[sflag:s29] =	ssyncset.done $0x0  }
0x2b: {  	s6 =	rddreg [dreg:$0x4];
	[sflag:s29] =	ssyncadd.s32 $0xFFFF8000  }
0x2c: {  	[hbm4b:s6+s2] =	stream.linear.scatter [tilespmem:s20], [sflag:$0x5], $0x8000, $0x38;
	[tilespmem:$0x1E400] =	vst v63  }
0x2d: {  	_ =	swait.ge [sflag:s30], $0x8000  }
0x2e: {  	[sflag:s30] =	ssyncset.done $0x0  }
0x2f: {  	s21 =	simm.s32 $0x300;
	[sflag:s30] =	ssyncadd.s32 $0xFFFF8000  }
0x30: {  	[tilespmem:s17], [sflag:$0x1] =	stream.indirect.gather [hbm4b:s3+s16], $0x80, s21, s16, $0xb8;
	[tilespmem:$0x1E400] =	vst v63  }
0x31: {  	s24 =	simm.s32 $0x380  }
0x32: {  	[tilespmem:s18], [sflag:$0x1] =	stream.indirect.gather [hbm4b:s3+s16], $0x80, s24, s16, $0xb8;
	[tilespmem:$0x1E400] =	vst v63  }
0x33: {  	_ =	swait.ge [sflag:s0], $0x8000  }
0x34: {  	[sflag:s0] =	ssyncset.done $0x0  }
0x35: {  	[sflag:s0] =	ssyncadd.s32 $0xFFFF8000  }
0x36: {  	[hbm4b:s7+s2] =	stream.linear.scatter [tilespmem:s25], [sflag:$0x6], $0x8000, $0x38;
	[tilespmem:$0x1E400] =	vst v63  }
0x37: {  	_ =	swait.ge [sflag:s19], $0x8000  }
0x38: {  	[sflag:s19] =	ssyncset.done $0x0  }
0x39: {  	s4 =	simm.s32 $0x400;
	[sflag:s19] =	ssyncadd.s32 $0xFFFF8000  }
0x3a: {  	[tilespmem:s20], [sflag:$0x2] =	stream.indirect.gather [hbm4b:s3+s16], $0x80, s4, s16, $0xb8;
	[tilespmem:$0x1E400] =	vst v63  }
0x3b: {  	s6 =	simm.s32 $0x480  }
0x3c: {  	[tilespmem:s22], [sflag:$0x2] =	stream.indirect.gather [hbm4b:s3+s16], $0x80, s6, s16, $0xb8;
	[tilespmem:$0x1E400] =	vst v63  }
0x3d: {  	_ =	swait.ge [sflag:s23], $0x8000  }
0x3e: {  	[sflag:s23] =	ssyncset.done $0x0  }
0x3f: {  	s21 =	sadd.s32 $0xFFFFF000, s13;
	[sflag:s23] =	ssyncadd.s32 $0xFFFF8000  }
0x40: {  	[hbm4b:s21+s2] =	stream.linear.scatter [tilespmem:s17], [sflag:$0x4], $0x8000, $0x38;
	[tilespmem:$0x1E400] =	vst v63  }
0x41: {  	_ =	swait.ge [sflag:s26], $0x8000  }
0x42: {  	[sflag:s26] =	ssyncset.done $0x0  }
0x43: {  	s24 =	simm.s32 $0x500;
	[sflag:s26] =	ssyncadd.s32 $0xFFFF8000  }
0x44: {  	[tilespmem:s25], [sflag:$0x3] =	stream.indirect.gather [hbm4b:s3+s16], $0x80, s24, s16, $0xb8;
	[tilespmem:$0x1E400] =	vst v63  }
0x45: {  	s4 =	simm.s32 $0x580  }
0x46: {  	[tilespmem:s28], [sflag:$0x3] =	stream.indirect.gather [hbm4b:s3+s16], $0x80, s4, s16, $0xb8;
	[tilespmem:$0x1E400] =	vst v63  }
0x47: {  	_ =	swait.ge [sflag:s29], $0x8000  }
0x48: {  	[sflag:s29] =	ssyncset.done $0x0  }
0x49: {  	[sflag:s29] =	ssyncadd.s32 $0xFFFF8000  }
0x4a: {  	[hbm4b:s13+s2] =	stream.linear.scatter [tilespmem:s20], [sflag:$0x5], $0x8000, $0x38;
	[tilespmem:$0x1E400] =	vst v63  }
0x4b: {  	_ =	swait.ge [sflag:s30], $0x8000  }
0x4c: {  	[sflag:s30] =	ssyncset.done $0x0  }
0x4d: {  	s6 =	simm.s32 $0x600;
	[sflag:s30] =	ssyncadd.s32 $0xFFFF8000  }
0x4e: {  	[tilespmem:s17], [sflag:$0x1] =	stream.indirect.gather [hbm4b:s3+s16], $0x80, s6, s16, $0xb8;
	[tilespmem:$0x1E400] =	vst v63  }
0x4f: {  	s21 =	simm.s32 $0x680  }
0x50: {  	[tilespmem:s18], [sflag:$0x1] =	stream.indirect.gather [hbm4b:s3+s16], $0x80, s21, s16, $0xb8;
	[tilespmem:$0x1E400] =	vst v63  }
0x51: {  	_ =	swait.ge [sflag:s0], $0x8000  }
0x52: {  	[sflag:s0] =	ssyncset.done $0x0  }
0x53: {  	[sflag:s0] =	ssyncadd.s32 $0xFFFF8000  }
0x54: {  	[hbm4b:s14+s2] =	stream.linear.scatter [tilespmem:s25], [sflag:$0x6], $0x8000, $0x38;
	[tilespmem:$0x1E400] =	vst v63  }
0x55: {  	_ =	swait.ge [sflag:s19], $0x8000  }
0x56: {  	[sflag:s19] =	ssyncset.done $0x0  }
0x57: {  	s1 =	simm.s32 $0xC00;
	s24 =	simm.s32 $0x700;
	[sflag:s19] =	ssyncadd.s32 $0xFFFF8000  }
0x58: {  	[tilespmem:s20], [sflag:$0x2] =	stream.indirect.gather [hbm4b:s3+s16], $0x80, s24, s16, $0xb8;
	[tilespmem:$0x1E400] =	vst v63  }
0x59: {  	s4 =	simm.s32 $0x780;
	s21 =	sadd.s32 $0x3000, s13;
	s24 =	sadd.s32 $0x3000, s14  }
.LBB2_2:
0x5a: {  	[tilespmem:s22], [sflag:$0x2] =	stream.indirect.gather [hbm4b:s3+s16], $0x80, s4, s16, $0xb8;
	[tilespmem:$0x1E400] =	vst v63  }
0x5b: {  	s4 =	smov.u32 s1  }
0x5c: {  	p0 =	sne.s32 s1, $0x16800;
	s1 =	sadd.s32 $0xC00, s1;
	_ =	swait.ge [sflag:s23], $0x8000  }
0x5d: {  	[sflag:s23] =	ssyncset.done $0x0  }
0x5e: {  	s6 =	sadd.s32 $0xFFFFF000, s21;
	[sflag:s23] =	ssyncadd.s32 $0xFFFF8000  }
0x5f: {  	[hbm4b:s6+s2] =	stream.linear.scatter [tilespmem:s17], [sflag:$0x4], $0x8000, $0x38;
	[tilespmem:$0x1E400] =	vst v63  }
0x60: {  	_ =	swait.ge [sflag:s26], $0x8000  }
0x61: {  	s4 =	sshra.s32 s4, $0x2;
	[sflag:s26] =	ssyncset.done $0x0  }
0x62: {  	s6 =	sadd.s32 $0x500, s4;
	[sflag:s26] =	ssyncadd.s32 $0xFFFF8000  }
0x63: {  	[tilespmem:s25], [sflag:$0x3] =	stream.indirect.gather [hbm4b:s3+s16], $0x80, s6, s16, $0xb8;
	[tilespmem:$0x1E400] =	vst v63  }
0x64: {  	s6 =	sadd.s32 $0x580, s4  }
0x65: {  	[tilespmem:s28], [sflag:$0x3] =	stream.indirect.gather [hbm4b:s3+s16], $0x80, s6, s16, $0xb8;
	[tilespmem:$0x1E400] =	vst v63  }
0x66: {  	_ =	swait.ge [sflag:s29], $0x8000  }
0x67: {  	[sflag:s29] =	ssyncset.done $0x0  }
0x68: {  	[sflag:s29] =	ssyncadd.s32 $0xFFFF8000  }
0x69: {  	[hbm4b:s21+s2] =	stream.linear.scatter [tilespmem:s20], [sflag:$0x5], $0x8000, $0x38;
	[tilespmem:$0x1E400] =	vst v63  }
0x6a: {  	_ =	swait.ge [sflag:s30], $0x8000  }
0x6b: {  	[sflag:s30] =	ssyncset.done $0x0  }
0x6c: {  	s6 =	sadd.s32 $0x600, s4;
	[sflag:s30] =	ssyncadd.s32 $0xFFFF8000  }
0x6d: {  	[tilespmem:s17], [sflag:$0x1] =	stream.indirect.gather [hbm4b:s3+s16], $0x80, s6, s16, $0xb8;
	[tilespmem:$0x1E400] =	vst v63  }
0x6e: {  	s6 =	sadd.s32 $0x680, s4  }
0x6f: {  	[tilespmem:s18], [sflag:$0x1] =	stream.indirect.gather [hbm4b:s3+s16], $0x80, s6, s16, $0xb8;
	[tilespmem:$0x1E400] =	vst v63  }
0x70: {  	_ =	swait.ge [sflag:s0], $0x8000  }
0x71: {  	[sflag:s0] =	ssyncset.done $0x0  }
0x72: {  	[sflag:s0] =	ssyncadd.s32 $0xFFFF8000  }
0x73: {  	[hbm4b:s24+s2] =	stream.linear.scatter [tilespmem:s25], [sflag:$0x6], $0x8000, $0x38;
	[tilespmem:$0x1E400] =	vst v63  }
.Ltmp0:
0x74: {  	_ =	swait.ge [sflag:s19], $0x8000;
	(pc) =	sbr.rel @p0 .LBB2_2-.Ltmp0, $4  }
0x75: {  	[sflag:s19] =	ssyncset.done $0x0  }
0x76: {  	s6 =	sadd.s32 $0x700, s4;
	[sflag:s19] =	ssyncadd.s32 $0xFFFF8000  }
0x77: {  	[tilespmem:s20], [sflag:$0x2] =	stream.indirect.gather [hbm4b:s3+s16], $0x80, s6, s16, $0xb8;
	[tilespmem:$0x1E400] =	vst v63  }
0x78: {  	s21 =	sadd.s32 $0x3000, s21;
	s4 =	sadd.s32 $0x780, s4;
	s24 =	sadd.s32 $0x3000, s24  }
0x79: {  	[tilespmem:s22], [sflag:$0x2] =	stream.indirect.gather [hbm4b:s3+s16], $0x80, s4, s16, $0xb8;
	[tilespmem:$0x1E400] =	vst v63  }
0x7a: {  	_ =	swait.ge [sflag:s23], $0x8000  }
0x7b: {  	[sflag:s23] =	ssyncset.done $0x0  }
0x7c: {  	[sflag:s23] =	ssyncadd.s32 $0xFFFF8000  }
0x7d: {  	[hbm4b:s10+s2] =	stream.linear.scatter [tilespmem:s17], [sflag:$0x4], $0x8000, $0x38;
	[tilespmem:$0x1E400] =	vst v63  }
0x7e: {  	_ =	swait.ge [sflag:s26], $0x8000  }
0x7f: {  	[sflag:s26] =	ssyncset.done $0x0  }
0x80: {  	s1 =	simm.s32 $0x6200;
	[sflag:s26] =	ssyncadd.s32 $0xFFFF8000  }
0x81: {  	[tilespmem:s25], [sflag:$0x3] =	stream.indirect.gather [hbm4b:s3+s16], $0x80, s1, s16, $0xb8;
	[tilespmem:$0x1E400] =	vst v63  }
0x82: {  	s6 =	simm.s32 $0x6280  }
0x83: {  	[tilespmem:s28], [sflag:$0x3] =	stream.indirect.gather [hbm4b:s3+s16], $0x80, s6, s16, $0xb8;
	[tilespmem:$0x1E400] =	vst v63  }
0x84: {  	_ =	swait.ge [sflag:s29], $0x8000  }
0x85: {  	[sflag:s29] =	ssyncset.done $0x0  }
0x86: {  	[sflag:s29] =	ssyncadd.s32 $0xFFFF8000  }
0x87: {  	[hbm4b:s11+s2] =	stream.linear.scatter [tilespmem:s20], [sflag:$0x5], $0x8000, $0x38;
	[tilespmem:$0x1E400] =	vst v63  }
0x88: {  	_ =	swait.ge [sflag:s30], $0x8000  }
0x89: {  	[sflag:s30] =	ssyncset.done $0x0  }
0x8a: {  	s21 =	simm.s32 $0x6300;
	[sflag:s30] =	ssyncadd.s32 $0xFFFF8000  }
0x8b: {  	[tilespmem:s17], [sflag:$0x1] =	stream.indirect.gather [hbm4b:s3+s16], $0x80, s21, s16, $0xb8;
	[tilespmem:$0x1E400] =	vst v63  }
0x8c: {  	s24 =	simm.s32 $0x6380  }
0x8d: {  	[tilespmem:s18], [sflag:$0x1] =	stream.indirect.gather [hbm4b:s3+s16], $0x80, s24, s16, $0xb8;
	[tilespmem:$0x1E400] =	vst v63  }
0x8e: {  	_ =	swait.ge [sflag:s0], $0x8000  }
0x8f: {  	[sflag:s0] =	ssyncset.done $0x0  }
0x90: {  	[sflag:s0] =	ssyncadd.s32 $0xFFFF8000  }
0x91: {  	[hbm4b:s12+s2] =	stream.linear.scatter [tilespmem:s25], [sflag:$0x6], $0x8000, $0x38;
	[tilespmem:$0x1E400] =	vst v63  }
0x92: {  	_ =	swait.ge [sflag:s19], $0x8000  }
0x93: {  	[sflag:s19] =	ssyncset.done $0x0  }
0x94: {  	[sflag:s19] =	ssyncadd.s32 $0xFFFF8000  }
0x95: {  	_ =	swait.ge [sflag:s23], $0x8000  }
0x96: {  	[sflag:s23] =	ssyncset.done $0x0  }
0x97: {  	s31 =	sadd.s32 $0x1, s31;
	[sflag:s23] =	ssyncadd.s32 $0xFFFF8000  }
0x98: {  	[hbm4b:s8+s2] =	stream.linear.scatter [tilespmem:s17], [sflag:$0x4], $0x8000, $0x38;
	[tilespmem:$0x1E400] =	vst v63  }
0x99: {  	p0 =	sne.s32 s31, s9;
	_ =	swait.ge [sflag:s26], $0x8000  }
.Ltmp1:
0x9a: {  	[sflag:s26] =	ssyncset.done $0x0;
	(pc) =	sbr.rel @p0 .LBB2_1-.Ltmp1, $4  }
0x9b: {  	[sflag:s26] =	ssyncadd.s32 $0xFFFF8000  }
0x9c: {  	_ =	swait.ge [sflag:s30], $0x8000  }
0x9d: {  	[sflag:s30] =	ssyncset.done $0x0  }
0x9e: {  	[sflag:s30] =	ssyncadd.s32 $0xFFFF8000  }
0x9f: {  	_ =	sfence.sel $0x180000  }
0xa0: {  	[bflag:$0x0] =	sbarrier.arrive $0xFFFF  }
0xa1: {  	_ =	strace $0x90000047  }
0xa2: {  	s0 =	stileid.u32;
	[bflag:$0x2] =	sbarrier.arrive $0xFFFF  }
0xa3: {  	p0 =	sne.s32 s0, $0x0;
	s0 =	rddreg [dreg:$0x2]  }
0xa4: {  	s0 =	sadd.s32 @!p0 $0x100000, s0  }
0xa5: {  	[sflag:s0] =	ssyncadd.tile.s32 @!p0 $0x1;
	_ =	shalt  }
.Lfunc_end2:
_tile_overlayer_lowered:
.L_overlay_start_2:
0xa6: {  	(tag) =	ssettag $0x2  }
0xa7: {  	s0 =	rddreg [dreg:$0x0];
	s2 =	stileid.u32  }
0xa8: {  	s1 =	rddreg [dreg:$0x1];
	p0 =	sne.s32 s2, $0x0  }
0xa9: {  	s3 =	rddreg [dreg:$0x2];
	[bflag:$0x3] =	sbarrier.arrive $0xFFFF;
	s2 =	simm.s32 @!p0 $0x1C07  }
0xaa: {  	[timem:s3], [sflag:s2] =	dma.local @!p0 [hbm:s0], s1  }
0xab: {  	s0 =	simm.s32 @!p0 $0x7  }
0xac: {  	_ =	swait.ge @!p0 [sflag:s0], s1  }
0xad: {  	s1 =	ssub.s32 @!p0 $0x0, s1;
	[sflag:s0] =	ssyncset.done @!p0 $0x0  }
0xae: {  	[sflag:s0] =	ssyncadd.s32 @!p0 s1  }
0xaf: {  	[bflag:$0x3] =	sbarrier.arrive $0xFFFF  }
0xb0: {  	_ =	shalt  }

// kernel: sparse-core-data-format-call.cloned.1.call-start
scs
called_computation_lowered:
.L_overlay_start_0:
0x0: {  	s2 =	sld [smem:$0x3FD9]  }
0x1: {  	s3 =	sld [smem:$0x3FFE];
	_ =	sdelay $0x1  }
0x2: {  	s1 =	srdreg.scid  }
0x3: {  	s0 =	sand.u32 $0x1, s1  }
0x4: {  	s18 =	sshll.u32 s0, $0xA;
	s2 =	sadd.s32 s3, s2  }
0x5: {  	s2 =	sadd.s32 s2, s18  }
0x6: {  	[smem:$0x3FC6] =	sst s2  }
0x7: {  	_ = 	snop  }
0x8: {  	s2 =	sld [smem:$0x3FD0];
	(tm) =	ssettm $0x1  }
0x9: {  	s19 =	sld [smem:$0x3FFB];
	_ =	sdelay $0x3  }
0xa: {  	_ =	strace s19  }
0xb: {  	s3 =	sld [smem:$0x3FFC];
	_ =	sdelay $0x3  }
0xc: {  	_ =	strace s3  }
0xd: {  	s3 =	sld [smem:$0x3FFD];
	_ =	sdelay $0x3  }
0xe: {  	_ =	strace s3  }
0xf: {  	_ =	strace $0x8FFFFFFF  }
0x10: {  	s20 =	sld [smem:$0x3FDB];
	_ =	sdelay $0x1  }
0x11: {  	s4 =	simm.s32 $_scs_section_size  }
0x12: {  	s5 =	simm.s32 $_size__tile_overlayer_lowered;
	s6 =	simm.s32 $_tile_overlayer_lowered  }
0x13: {  	s23 =	simm.s32 $0x1BFF;
	s22 =	sshll.u32 s6, $0x1;
	s3 =	sadd.s32 s4, s20  }
0x14: {  	s7 =	simm.s32 $0x0;
	s21 =	sshll.u32 s5, $0x1;
	s5 =	sadd.s32 s22, s3  }
0x15: {  	[timem:s7], [sflag:s23] =	dma.local [hbm:s5], s21  }
0x16: {  	_ =	swait.ge [sflag:s23], s21  }
0x17: {  	s4 =	ssub.s32 $0x0, s21;
	[sflag:s23] =	ssyncset.done $0x0  }
0x18: {  	[sflag:s23] =	ssyncadd.s32 s4;
	_ =	sdelay $0x1  }
0x19: {  	s24 =	simm.s32 $0x1B8B  }
0x1a: {  	_ =	swait.ge [sflag:s24], $0x1  }
0x1b: {  	[sflag:s24] =	ssyncset.done $0x0  }
0x1c: {  	s26 =	simm.s32 $0x1B8E;
	s25 =	sld [smem:$0x3FFE];
	[sflag:s24] =	ssyncadd.s32 $0xFFFFFFFF  }
0x1d: {  	s27 =	simm.s32 $execute0_lowered;
	[smem:$0x3FD2] =	sst s26  }
0x1e: {  	s5 =	sshll.u32 s27, $0x1;
	_ =	strace $0x80000049;
	[dreg:$0x1] =	wrdreg $0xFFFFFFFF  }
0x1f: {  	s28 =	simm.s32 $_size_execute0_lowered;
	s3 =	sadd.s32 s3, s5;
	[dreg:$0x0] =	wrdreg $0x0  }
0x20: {  	s5 =	sshll.u32 s28, $0x1;
	[dreg:$0x2] =	wrdreg s3  }
0x21: {  	[dreg:$0x3] =	wrdreg s5  }
0x22: {  	[dreg:$0x4] =	wrdreg $0xC0  }
0x23: {  	_ =	task [dreg:s7], $0x5FFFF  }
0x24: {  	[dreg:$0x1] =	wrdreg $0xFFFFFFFF  }
0x25: {  	[dreg:$0x0] =	wrdreg $0x60  }
0x26: {  	[dreg:$0x2] =	wrdreg s25  }
0x27: {  	[dreg:$0x3] =	wrdreg s2  }
0x28: {  	[dreg:$0x4] =	wrdreg $0x9  }
0x29: {  	_ =	task.clear_ibuf [dreg:s7], $0x5FFFF;
	_ =	strace $0x90000049  }
0x2a: {  	s29 =	simm.s32 $0x9;
	_ =	strace $0x8000004B  }
0x2b: {  	_ =	swait.ge [sflag:s29], $0x1  }
0x2c: {  	[sflag:s29] =	ssyncadd.s32 $0xFFFFFFFF  }
0x2d: {  	_ =	strace $0x9000004B  }
0x2e: {  	_ =	sfence  }
0x2f: {  	s30 =	sld [smem:$0x0];
	_ =	sdelay $0x2  }
0x30: {  	s31 =	sshll.u32 s1, $0xD;
	s1 =	sshrl.u32 s1, $0x2  }
0x31: {  	s3 =	sand.u32 $0x4000, s31;
	s1 =	sadd.s32 s1, s30  }
0x32: {  	s0 =	sor.u32 s3, s0;
	s1 =	sshll.u32 s1, $0x11  }
0x33: {  	s0 =	sor.u32 s1, s0  }
0x34: {  	s0 =	sadd.s32 $0x8F2B, s0  }
0x35: {  	[sflag:s0] =	ssyncadd.remote.s32 $0x1  }
0x36: {  	_ =	sfence.sel $0xFFFF  }
0x37: {  	[dreg:$0x0] =	wrdreg $0xFFFFFFFF;
	(pc) =	sbr.abs _section_cstart, $3  }
0x38: {  	[dreg:$0x1] =	wrdreg $0xFFFFFFFF  }
0x39: {  	_ =	task.clear_ibuf [dreg:s7], $0x2FFFF;
	_ =	strace $0x9FFFFFFF  }
0x3a: {  	(tm) =	ssettm $0x7FFFFFFF  }
0x3b: {  	_ =	shalt  }
tec
execute0_lowered:
.L_overlay_start_1:
0x0: {  	(tag) =	ssettag $0x1  }
0x1: {  	s0 =	srdreg.scid  }
0x2: {  	s1 =	sshll.u32 s0, $0x4  }
0x3: {  	s0 =	stileid.u32;
	s1 =	sand.u32 $0x10, s1  }
0x4: {  	s1 =	sor.u32 s0, s1  }
0x5: {  	s6 =	rddreg [dreg:$0x0];
	s4 =	simm.s32 $0x1;
	s2 =	sshll.u32 s1, $0x7  }
0x6: {  	s7 =	simm.s32 $0x2;
	s12 =	simm.s32 $0x0;
	s1 =	ssub.s32 $0x1000, s2  }
0x7: {  	s8 =	simm.s32 $0x8000;
	s13 =	simm.s32 $0x0;
	s3 =	sand.u32 $0xF80, s1  }
0x8: {  	s9 =	simm.s32 $0x0;
	s5 =	sshrl.u32 s1, $0xC;
	p0 =	sne.s32 s3, $0x0  }
.Ltmp0:
0x9: {  	s1 =	rddreg [dreg:$0x2];
	s4 =	simm.s32 @!p0 $0x0;
	(pc) =	sbr.rel .LBB1_1-.Ltmp0, $4  }
0xa: {  	s11 =	simm.s32 $0x0;
	s3 =	rddreg [dreg:$0x1];
	s5 =	sadd.s32 s4, s5  }
0xb: {  	_ =	strace $0x8000004A;
	s4 =	simm.s32 $0x1;
	s5 =	smul.u32 $0xC8, s5  }
0xc: {  	s6 =	sadd.s32 $0xA00, s6;
	s10 =	smov.u32 s2;
	[sflag:s4] =	ssyncpa.u1 $0x0  }
0xd: {  	p0 =	por $0x0, $0x0;
	[sflag:s7] =	ssyncpa.u1 $0x0;
	s7 =	sor.u32 $0x1, s5  }
.LBB1_4:
0xe: {  	s16 =	sshll.u32 s13, $0x3;
	s17 =	sand.u32 $0x78, s13  }
0xf: {  	s30 =	sand.u32 $0x7E00, s13;
	s12 =	sshll.u32 s12, $0xF;
	s16 =	sand.u32 $0xC00, s16  }
0x10: {  	[tilespmem:s15+$0x810 ss:$0x81] =	vst.msk $0xffff, v2;
	s31 =	sand.u32 $0x7, s13;
	s16 =	sor.u32 s17, s16;
	s17 =	sadd.s32 s3, s30  }
0x11: {  	[tilespmem:s15+$0x1020 ss:$0x81] =	vst.msk $0xffff, v0;
	s13 =	sshll.u32 s31, $0x12;
	s12 =	sadd.s32 s12, s17;
	s16 =	sshrl.u32 s16, $0x3  }
0x12: {  	[tilespmem:s15+$0x0 ss:$0x81] =	vst.msk $0xffff, v1;
	s13 =	sor.u32 $0x400, s13;
	s12 =	sadd.s32 s16, s12  }
0x13: {  	[hbm4b:s12+s13] =	stream.strided.scatter [tilespmem:s14], [sflag:$0x2], $0x2000, s8, s13, $0x20;
	[tilespmem:$0x8080] =	vst v63  }
.LBB1_5:
0x14: {  	s14 =	sadd.s32 $0x1, s9  }
0x15: {  	s12 =	sadd.s32 $0x1000, s10;
	s16 =	smov.u32 s10;
	p2 =	sgt.s32 s14, $0xC7  }
0x16: {  	s16 =	smov.u32 @p2 s12  }
0x17: {  	s14 =	simm.s32 @p2 $0x0;
	p2 =	sgt.s32 s16, $0xFFF  }
0x18: {  	s16 =	smov.u32 @p2 s2;
	p2 =	sne.s32 s11, s7  }
.Ltmp1:
0x19: {  	p1 =	slt.u32 s11, $0x2;
	(pc) =	sbr.rel @!p2 .LBB1_6-.Ltmp1, $4  }
0x1a: {  	s15 =	simm.s32 @!p1 $0x2  }
0x1b: {  	s13 =	smov.u32 s10;
	p0 =	por !p0, !p0;
	_ =	swait.ge @!p1 [sflag:s15], $0x2000  }
0x1c: {  	s12 =	smov.u32 s9;
	[sflag:s15] =	ssyncset.done @!p1 $0x0;
	s9 =	smov.u32 s14  }
0x1d: {  	s11 =	sadd.s32 $0x1, s11;
	[sflag:s15] =	ssyncadd.s32 @!p1 $0xFFFFE000;
	s10 =	smov.u32 s16  }
.LBB1_1:
0x1e: {  	p1 =	sge.u32 s11, s5  }
0x1f: {  	s14 =	sand.u32 @!p1 $0x1FFFFFF, s9  }
0x20: {  	s15 =	smulhi.u32 @!p1 $0x147AE15, s14;
	_ =	sdelay $0x1  }
0x21: {  	s15 =	smul.u32 @!p1 $0xC8, s15  }
0x22: {  	s16 =	sxor.u32 @!p1 $0xFFFFFFFF, s11;
	s17 =	smul.u32 @!p1 $0xC80, s10  }
0x23: {  	s31 =	sadd.s32 $0xFFFFFFFF, s11;
	s16 =	sshll.u32 @!p1 s16, $0xD;
	s14 =	ssub.s32 @!p1 s14, s15  }
0x24: {  	s15 =	sand.u32 @!p1 $0x2000, s16;
	s16 =	sadd.s32 @!p1 s6, s17;
	s14 =	sshll.u32 @!p1 s14, $0x4  }
0x25: {  	s17 =	simm.s32 @!p1 $0x6400;
	s14 =	sadd.s32 @!p1 s14, s16;
	s16 =	simm.s32 @!p1 $0x40  }
0x26: {  	[tilespmem:s15], [sflag:$0x1] =	stream.strided.gather @!p1 [hbm4b:s14+s16], $0x2000, s17, s16, $0x38;
	[tilespmem:$0x8080] =	vst v63  }
0x27: {  	p1 =	sge.u32 s31, s5  }
.Ltmp2:
0x28: {  	_ = 	snop;
	(pc) =	sbr.rel @p1 .LBB1_5-.Ltmp2, $1  }
0x29: {  	_ =	sdelay $0x3  }
0x2a: {  	s14 =	simm.s32 $0x1  }
0x2b: {  	_ =	swait.ge [sflag:s4], $0x2000;
	s14 =	simm.s32 @!p0 $0x0  }
0x2c: {  	[sflag:s4] =	ssyncset.done $0x0;
	s15 =	sshll.u32 s14, $0xD  }
0x2d: {  	[sflag:s4] =	ssyncadd.s32 $0xFFFFE000;
	s18 =	sor.u32 $0x20, s15  }
0x2e: {  	s14 =	smul.u32 $0x8100, s14;
	v3 =	vld [tilespmem:s18+$0x10]  }
0x2f: {  	s30 =	sand.u32 $0x1, s11;
	v2 =	vld [tilespmem:s18+$0xFFFFFFF0]  }
0x30: {  	s15 =	smul.u32 $0x8100, s30;
	s14 =	sshrl.u32 s14, $0x2;
	v0 =	vld [tilespmem:s18+$0x0]  }
0x31: {  	v1 =	vld [tilespmem:s18+$0xFFFFFFE0];
	s16 =	sor.u32 $0x4000, s14  }
0x32: {  	s31 =	sshrl.u32 s15, $0x2;
	s15 =	sadd.s32 $0x0, s16  }
0x33: {  	s17 =	simm.s32 $0x4;
	s18 =	sadd.s32 $0x40, s18;
	s14 =	sor.u32 $0x4000, s31;
	[tilespmem:s15+$0x1830 ss:$0x81] =	vst.msk $0xffff, v3  }
.LBB1_3:
0x34: {  	v3 =	vld [tilespmem:s18+$0x10];
	p1 =	sne.s32 s17, $0x1FC;
	[tilespmem:s15+$0x810 ss:$0x81] =	vst.msk $0xffff, v2;
	s19 =	smov.u32 s17;
	s17 =	sadd.s32 $0x4, s17  }
.Ltmp3:
0x35: {  	v2 =	vld [tilespmem:s18+$0xFFFFFFF0];
	[tilespmem:s15+$0x1020 ss:$0x81] =	vst.msk $0xffff, v0;
	(pc) =	sbr.rel @p1 .LBB1_3-.Ltmp3, $4  }
0x36: {  	v0 =	vld [tilespmem:s18+$0x0];
	[tilespmem:s15+$0x0 ss:$0x81] =	vst.msk $0xffff, v1  }
0x37: {  	s15 =	sshra.s32 s19, $0x2;
	v1 =	vld [tilespmem:s18+$0xFFFFFFE0]  }
0x38: {  	s15 =	sadd.s32 s15, s16  }
0x39: {  	s18 =	sadd.s32 $0x40, s18;
	[tilespmem:s15+$0x1830 ss:$0x81] =	vst.msk $0xffff, v3  }
.Ltmp4:
0x3a: {  	_ = 	snop;
	(pc) =	sbr.rel .LBB1_4-.Ltmp4, $1  }
0x3b: {  	_ =	sdelay $0x3  }
.LBB1_6:
0x3c: {  	_ =	sfence.sel $0x180000  }
0x3d: {  	s2 =	simm.s32 $0x1;
	[bflag:$0x0] =	sbarrier.arrive $0xFFFF  }
0x3e: {  	s31 =	simm.s32 $0x2;
	[sflag:s2] =	ssyncpa.u1 $0x1  }
0x3f: {  	[sflag:s31] =	ssyncpa.u1 $0x1  }
0x40: {  	p0 =	sne.s32 s0, $0x0;
	_ =	strace $0x9000004A  }
0x41: {  	s0 =	sadd.s32 @!p0 $0x100000, s1;
	[bflag:$0x2] =	sbarrier.arrive $0xFFFF  }
0x42: {  	[sflag:s0] =	ssyncadd.tile.s32 @!p0 $0x1;
	_ =	shalt  }
.Lfunc_end1:
_tile_overlayer_lowered:
.L_overlay_start_2:
0x43: {  	(tag) =	ssettag $0x2  }
0x44: {  	s0 =	rddreg [dreg:$0x0];
	s2 =	stileid.u32  }
0x45: {  	s1 =	rddreg [dreg:$0x1];
	p0 =	sne.s32 s2, $0x0  }
0x46: {  	s3 =	rddreg [dreg:$0x2];
	[bflag:$0x3] =	sbarrier.arrive $0xFFFF;
	s2 =	simm.s32 @!p0 $0x1C01  }
0x47: {  	[timem:s3], [sflag:s2] =	dma.local @!p0 [hbm:s0], s1  }
0x48: {  	s0 =	simm.s32 @!p0 $0x1  }
0x49: {  	_ =	swait.ge @!p0 [sflag:s0], s1  }
0x4a: {  	s1 =	ssub.s32 @!p0 $0x0, s1;
	[sflag:s0] =	ssyncset.done @!p0 $0x0  }
0x4b: {  	[sflag:s0] =	ssyncadd.s32 @!p0 s1  }
0x4c: {  	[bflag:$0x3] =	sbarrier.arrive $0xFFFF  }
0x4d: {  	_ =	shalt  }

</sc_bundles>
